<compile_context>
chip_gen: v7x
topology: tpu7x:2x2x1
jax: 0.10.2.dev20260603
libtpu: 0.0.44.dev20260713+nightly
codegen_flags: <defaults>
</compile_context>

<pallas_src>
import functools

import jax
import jax.numpy as jnp
from jax import lax
from jax.experimental import pallas as pl
from jax.experimental.pallas import tpu as pltpu
from jax.experimental.pallas import tpu_sc as plsc

_N = 10000
_D = 128
_E = 320000

_NP = 10240
_NW = 32
_C = 128
_K = 80
_EW = _K * _C
_EPAD = _NW * _EW
_RPT = _NP // 16
_NBUF = 2
_PH = 2
_KH = _K // _PH

_BN = 1024
_GRID = _NP // _BN


def _make_sc_aggregate(with_deg):
    mesh = plsc.VectorSubcoreMesh(core_axis_name="c", subcore_axis_name="s")

    out_type = [jax.ShapeDtypeStruct((2, _NP, _D), jnp.float32)]
    scratch = [
        pltpu.VMEM((_KH, _C), jnp.int32),
        pltpu.VMEM((_KH, _C), jnp.int32),
        pltpu.VMEM_SHARED((_NP, _D), jnp.float32),
    ] + [pltpu.VMEM((_C, _D), jnp.float32) for _ in range(_NBUF)] \
      + [pltpu.SemaphoreType.DMA for _ in range(_NBUF)]
    if with_deg:
        out_type.append(jax.ShapeDtypeStruct((2, _NP), jnp.float32))
        scratch += [
            pltpu.VMEM((_C,), jnp.float32),
            pltpu.VMEM_SHARED((_NP,), jnp.float32),
        ]

    @functools.partial(pl.kernel, out_type=tuple(out_type), mesh=mesh,
                       scratch_types=tuple(scratch))
    def agg(h_hbm, src_hbm, dst_hbm, z2d_hbm, z1d_hbm, *rest):
        if with_deg:
            (agg_out, deg_out, src_v, dst_v, sh_agg,
             b0, b1, s0, s1, ones_v, sh_deg) = rest
        else:
            (agg_out, src_v, dst_v, sh_agg, b0, b1, s0, s1) = rest
        rows = (b0, b1)
        sems = (s0, s1)

        cid = lax.axis_index("c")
        sid = lax.axis_index("s")
        wid = cid * 16 + sid

        r0 = sid * _RPT
        pltpu.sync_copy(z2d_hbm, sh_agg.at[pl.ds(r0, _RPT), :])
        if with_deg:
            pltpu.sync_copy(z1d_hbm, sh_deg.at[pl.ds(r0, _RPT)])
            for i in range(_C // 16):
                ones_v[pl.ds(i * 16, 16)] = jnp.full((16,), 1.0, jnp.float32)

        plsc.subcore_barrier()

        for phase in range(_PH):
            pltpu.sync_copy(src_hbm.at[wid, pl.ds(phase * _KH, _KH), :], src_v)
            pltpu.sync_copy(dst_hbm.at[wid, pl.ds(phase * _KH, _KH), :], dst_v)

            for b in range(_NBUF):
                pltpu.async_copy(h_hbm.at[src_v.at[b]], rows[b], sems[b])

            def body(i, carry):
                for b in range(_NBUF):
                    j = i * _NBUF + b
                    pltpu.make_async_copy(h_hbm.at[src_v.at[j]], rows[b],
                                          sems[b]).wait()
                    pltpu.sync_copy(rows[b], sh_agg.at[dst_v.at[j]], add=True)
                    if with_deg:
                        pltpu.sync_copy(ones_v, sh_deg.at[dst_v.at[j]],
                                        add=True)
                    jn = jnp.minimum(j + _NBUF, _KH - 1)
                    pltpu.async_copy(h_hbm.at[src_v.at[jn]], rows[b], sems[b])
                return carry

            lax.fori_loop(0, _KH // _NBUF, body, 0)

            for b in range(_NBUF):
                pltpu.make_async_copy(h_hbm.at[src_v.at[_KH - 1]], rows[b],
                                      sems[b]).wait()

        plsc.subcore_barrier()

        pltpu.sync_copy(sh_agg.at[pl.ds(r0, _RPT), :],
                        agg_out.at[cid, pl.ds(r0, _RPT), :])

        if with_deg:
            @pl.when(sid == 0)
            def _():
                pltpu.sync_copy(sh_deg, deg_out.at[cid])

    return agg


def _make_tc_layer(relu):
    def body(h_ref, agg_ref, deg_ref, ws_ref, wn_ref, b_ref, o_ref):
        d = deg_ref[0] + deg_ref[1]
        inv = 1.0 / jnp.maximum(d, 1.0)
        hn = (agg_ref[0] + agg_ref[1]) * inv
        acc = jnp.dot(h_ref[...], ws_ref[...], preferred_element_type=jnp.float32)
        acc = acc + jnp.dot(hn, wn_ref[...], preferred_element_type=jnp.float32)
        acc = acc + b_ref[...]
        if relu:
            acc = jnp.maximum(acc, 0.0)
        o_ref[...] = acc

    return pl.pallas_call(
        body,
        grid=(_GRID,),
        in_specs=[
            pl.BlockSpec((_BN, _D), lambda i: (i, 0)),
            pl.BlockSpec((2, _BN, _D), lambda i: (0, i, 0)),
            pl.BlockSpec((2, _BN, 1), lambda i: (0, i, 0)),
            pl.BlockSpec((_D, _D), lambda i: (0, 0)),
            pl.BlockSpec((_D, _D), lambda i: (0, 0)),
            pl.BlockSpec((1, _D), lambda i: (0, 0)),
        ],
        out_specs=pl.BlockSpec((_BN, _D), lambda i: (i, 0)),
        out_shape=jax.ShapeDtypeStruct((_NP, _D), jnp.float32),
    )


def kernel(x, edge_index, W_self0, W_neigh0, b0, W_self1, W_neigh1, b1):
    src = edge_index[0]
    dst = edge_index[1]
    extra = _EPAD - _E
    pad_src = jnp.arange(extra, dtype=jnp.int32) % _N
    pad_dst = _N + (jnp.arange(extra, dtype=jnp.int32) % (_NP - _N))
    src3 = (jnp.concatenate([src, pad_src])
            .reshape(_K * _C, _NW).T.reshape(_NW, _K, _C))
    dst3 = (jnp.concatenate([dst, pad_dst])
            .reshape(_K * _C, _NW).T.reshape(_NW, _K, _C))
    x_pad = jnp.pad(x, ((0, _NP - _N), (0, 0)))
    z2d = jnp.zeros((_RPT, _D), jnp.float32)
    z1d = jnp.zeros((_RPT,), jnp.float32)
    b0r = b0.reshape(1, _D)
    b1r = b1.reshape(1, _D)

    agg0, deg = _make_sc_aggregate(True)(x_pad, src3, dst3, z2d, z1d)
    deg3 = deg.reshape(2, _NP, 1)
    h1 = _make_tc_layer(True)(x_pad, agg0, deg3, W_self0, W_neigh0, b0r)
    (agg1,) = _make_sc_aggregate(False)(h1, src3, dst3, z2d, z1d)
    out = _make_tc_layer(False)(h1, agg1, deg3, W_self1, W_neigh1, b1r)
    return out[:_N]

# --- scband reference (transcript-rebuilt; emitter-appended) ---
"""Pipeline reference for scband-graph-sage-73065983640058 (READ-ONLY COPY).

The authoritative reference and input builder live on the scoring server;
editing this copy changes nothing except your own understanding.
"""

import jax, jax.numpy as jnp
import numpy as np

N = 10000
E = 320000
D = 128


def setup_inputs(seed: int = 0) -> dict:
    key = jax.random.key(seed)
    ks = jax.random.split(key, 8)
    x = jax.random.normal(ks[0], (N, D), dtype=jnp.float32)
    edge_index = jax.random.randint(ks[1], (2, E), 0, N, dtype=jnp.int32)
    scale = 1.0 / np.sqrt(D)
    W_self0 = jax.random.normal(ks[2], (D, D), dtype=jnp.float32) * scale
    W_neigh0 = jax.random.normal(ks[3], (D, D), dtype=jnp.float32) * scale
    b0 = jnp.zeros((D,), dtype=jnp.float32)
    W_self1 = jax.random.normal(ks[4], (D, D), dtype=jnp.float32) * scale
    W_neigh1 = jax.random.normal(ks[5], (D, D), dtype=jnp.float32) * scale
    b1 = jnp.zeros((D,), dtype=jnp.float32)
    return {"x": x, "edge_index": edge_index,
            "W_self0": W_self0, "W_neigh0": W_neigh0, "b0": b0,
            "W_self1": W_self1, "W_neigh1": W_neigh1, "b1": b1}


def _sage_layer(h, src, dst, W_self, W_neigh, b, n_nodes):
    # DGL SAGEConv with 'mean' aggregator:
    #   h_neigh_i = mean_{j in N(i)} h_j ; out = h_i @ W_self + h_neigh_i @ W_neigh + b
    msg = jnp.take(h, src, axis=0)                      # gather [E, D]
    agg = jax.ops.segment_sum(msg, dst, num_segments=n_nodes)   # scatter-add [N, D]
    deg = jax.ops.segment_sum(jnp.ones((src.shape[0],), dtype=h.dtype), dst,
                              num_segments=n_nodes)
    h_neigh = agg / jnp.maximum(deg, 1.0)[:, None]
    return h @ W_self + h_neigh @ W_neigh + b


def reference(x, edge_index, W_self0, W_neigh0, b0, W_self1, W_neigh1, b1):
    src = edge_index[0]
    dst = edge_index[1]
    n_nodes = x.shape[0]
    h = _sage_layer(x, src, dst, W_self0, W_neigh0, b0, n_nodes)
    h = jax.nn.relu(h)
    h = _sage_layer(h, src, dst, W_self1, W_neigh1, b1, n_nodes)
    return h

if __name__ == "__main__":
    import jax
    _d = setup_inputs()
    print(jax.jit(kernel)(*tuple(_d.values())))

</pallas_src>

<mosaic_0001>
#map = affine_map<(d0, d1) -> (0, 0)>
#map1 = affine_map<(d0, d1) -> (0, 0, 0)>
#map2 = affine_map<(d0, d1) -> (0)>
module attributes {stable_mosaic.version = 14 : i64} {
  func.func @agg(%arg0: i32, %arg1: i32, %arg2: memref<10240x128xf32, #tpu.memory_space<hbm>>, %arg3: memref<32x80x128xi32, #tpu.memory_space<hbm>>, %arg4: memref<32x80x128xi32, #tpu.memory_space<hbm>>, %arg5: memref<640x128xf32, #tpu.memory_space<hbm>>, %arg6: memref<640xf32, #tpu.memory_space<hbm>>, %arg7: memref<2x10240x128xf32, #tpu.memory_space<hbm>>, %arg8: memref<40x128xi32, #tpu.memory_space<vmem>>, %arg9: memref<40x128xi32, #tpu.memory_space<vmem>>, %arg10: memref<10240x128xf32, #tpu.memory_space<vmem_shared>>, %arg11: memref<128x128xf32, #tpu.memory_space<vmem>>, %arg12: memref<128x128xf32, #tpu.memory_space<vmem>>, %arg13: memref<!tpu.dma_semaphore, #tpu.memory_space<semaphore_mem>>, %arg14: memref<!tpu.dma_semaphore, #tpu.memory_space<semaphore_mem>>) attributes {dimension_semantics = [#tpu.dimension_semantics<core_parallel>, #tpu.dimension_semantics<subcore_parallel>], iteration_bounds = array<i64: 2, 16>, scalar_prefetch = 0 : i64, scratch_operands = 7 : i64, tpu.core_type = #tpu.core_type<sc_vector_subcore>, window_params = [{transform_indices = #map}, {transform_indices = #map1}, {transform_indices = #map1}, {transform_indices = #map}, {transform_indices = #map2}, {transform_indices = #map1}]} {
    %mul3A = arith.constant 16 : i32
    %mul3A_0 = arith.muli %arg0, %mul3A : i32
    %add3A = arith.addi %mul3A_0, %arg1 : i32
    %mul3A_1 = arith.constant 640 : i32
    %mul3A_2 = arith.muli %arg1, %mul3A_1 : i32
    "tpu.region"() ({
      %run_scoped3A = tpu.sem_alloc : memref<!tpu.dma_semaphore, #tpu.memory_space<semaphore_mem>>
      %dma_start3A_69 = arith.constant 0 : i32
      %dma_start3A_70 = tpu.memref_slice %arg10[%mul3A_2, %dma_start3A_69] : memref<10240x128xf32, #tpu.memory_space<vmem_shared>> -> memref<640x128xf32, #tpu.memory_space<vmem_shared>>
      tpu.enqueue_dma source(%arg5 : memref<640x128xf32, #tpu.memory_space<hbm>>) target(%dma_start3A_70 : memref<640x128xf32, #tpu.memory_space<vmem_shared>>) target_semaphore(%run_scoped3A : memref<!tpu.dma_semaphore, #tpu.memory_space<semaphore_mem>>)
      %dma_wait3A_71 = arith.constant 0 : i32
      %dma_wait3A_72 = tpu.memref_slice %arg10[%mul3A_2, %dma_wait3A_71] : memref<10240x128xf32, #tpu.memory_space<vmem_shared>> -> memref<640x128xf32, #tpu.memory_space<vmem_shared>>
      tpu.wait_dma2 semaphore(%run_scoped3A : memref<!tpu.dma_semaphore, #tpu.memory_space<semaphore_mem>>) src(%arg5 : memref<640x128xf32, #tpu.memory_space<hbm>>) dst(%dma_wait3A_72 : memref<640x128xf32, #tpu.memory_space<vmem_shared>>)
      tpu.yield
    }) : () -> ()
    %barrier3A = arith.constant 0 : index
    tpu.barrier barrier_id(%barrier3A)
    "tpu.region"() ({
      %run_scoped3A = tpu.sem_alloc : memref<!tpu.dma_semaphore, #tpu.memory_space<semaphore_mem>>
      %dma_start3A_69 = arith.constant 0 : i32
      %dma_start3A_70 = arith.constant 0 : i32
      %dma_start3A_71 = tpu.memref_slice %arg3[%add3A, %dma_start3A_69, %dma_start3A_70] : memref<32x80x128xi32, #tpu.memory_space<hbm>> -> memref<1x40x128xi32, #tpu.memory_space<hbm>>
      %dma_start3A_72 = tpu.memref_squeeze %dma_start3A_71 : memref<1x40x128xi32, #tpu.memory_space<hbm>> -> memref<40x128xi32, #tpu.memory_space<hbm>>
      %dma_start3A_73 = arith.constant 0 : i32
      %dma_start3A_74 = arith.constant 0 : i32
      %dma_start3A_75 = tpu.memref_slice %arg3[%add3A, %dma_start3A_73, %dma_start3A_74] : memref<32x80x128xi32, #tpu.memory_space<hbm>> -> memref<1x40x128xi32, #tpu.memory_space<hbm>>
      %dma_start3A_76 = tpu.memref_squeeze %dma_start3A_75 : memref<1x40x128xi32, #tpu.memory_space<hbm>> -> memref<40x128xi32, #tpu.memory_space<hbm>>
      tpu.enqueue_dma source(%dma_start3A_76 : memref<40x128xi32, #tpu.memory_space<hbm>>) target(%arg8 : memref<40x128xi32, #tpu.memory_space<vmem>>) target_semaphore(%run_scoped3A : memref<!tpu.dma_semaphore, #tpu.memory_space<semaphore_mem>>)
      %dma_wait3A_77 = arith.constant 0 : i32
      %dma_wait3A_78 = arith.constant 0 : i32
      %dma_wait3A_79 = tpu.memref_slice %arg3[%add3A, %dma_wait3A_77, %dma_wait3A_78] : memref<32x80x128xi32, #tpu.memory_space<hbm>> -> memref<1x40x128xi32, #tpu.memory_space<hbm>>
      %dma_wait3A_80 = tpu.memref_squeeze %dma_wait3A_79 : memref<1x40x128xi32, #tpu.memory_space<hbm>> -> memref<40x128xi32, #tpu.memory_space<hbm>>
      %dma_wait3A_81 = arith.constant 0 : i32
      %dma_wait3A_82 = arith.constant 0 : i32
      %dma_wait3A_83 = tpu.memref_slice %arg3[%add3A, %dma_wait3A_81, %dma_wait3A_82] : memref<32x80x128xi32, #tpu.memory_space<hbm>> -> memref<1x40x128xi32, #tpu.memory_space<hbm>>
      %dma_wait3A_84 = tpu.memref_squeeze %dma_wait3A_83 : memref<1x40x128xi32, #tpu.memory_space<hbm>> -> memref<40x128xi32, #tpu.memory_space<hbm>>
      tpu.wait_dma2 semaphore(%run_scoped3A : memref<!tpu.dma_semaphore, #tpu.memory_space<semaphore_mem>>) src(%dma_wait3A_84 : memref<40x128xi32, #tpu.memory_space<hbm>>) dst(%arg8 : memref<40x128xi32, #tpu.memory_space<vmem>>)
      tpu.yield
    }) : () -> ()
    "tpu.region"() ({
      %run_scoped3A = tpu.sem_alloc : memref<!tpu.dma_semaphore, #tpu.memory_space<semaphore_mem>>
      %dma_start3A_69 = arith.constant 0 : i32
      %dma_start3A_70 = arith.constant 0 : i32
      %dma_start3A_71 = tpu.memref_slice %arg4[%add3A, %dma_start3A_69, %dma_start3A_70] : memref<32x80x128xi32, #tpu.memory_space<hbm>> -> memref<1x40x128xi32, #tpu.memory_space<hbm>>
      %dma_start3A_72 = tpu.memref_squeeze %dma_start3A_71 : memref<1x40x128xi32, #tpu.memory_space<hbm>> -> memref<40x128xi32, #tpu.memory_space<hbm>>
      %dma_start3A_73 = arith.constant 0 : i32
      %dma_start3A_74 = arith.constant 0 : i32
      %dma_start3A_75 = tpu.memref_slice %arg4[%add3A, %dma_start3A_73, %dma_start3A_74] : memref<32x80x128xi32, #tpu.memory_space<hbm>> -> memref<1x40x128xi32, #tpu.memory_space<hbm>>
      %dma_start3A_76 = tpu.memref_squeeze %dma_start3A_75 : memref<1x40x128xi32, #tpu.memory_space<hbm>> -> memref<40x128xi32, #tpu.memory_space<hbm>>
      tpu.enqueue_dma source(%dma_start3A_76 : memref<40x128xi32, #tpu.memory_space<hbm>>) target(%arg9 : memref<40x128xi32, #tpu.memory_space<vmem>>) target_semaphore(%run_scoped3A : memref<!tpu.dma_semaphore, #tpu.memory_space<semaphore_mem>>)
      %dma_wait3A_77 = arith.constant 0 : i32
      %dma_wait3A_78 = arith.constant 0 : i32
      %dma_wait3A_79 = tpu.memref_slice %arg4[%add3A, %dma_wait3A_77, %dma_wait3A_78] : memref<32x80x128xi32, #tpu.memory_space<hbm>> -> memref<1x40x128xi32, #tpu.memory_space<hbm>>
      %dma_wait3A_80 = tpu.memref_squeeze %dma_wait3A_79 : memref<1x40x128xi32, #tpu.memory_space<hbm>> -> memref<40x128xi32, #tpu.memory_space<hbm>>
      %dma_wait3A_81 = arith.constant 0 : i32
      %dma_wait3A_82 = arith.constant 0 : i32
      %dma_wait3A_83 = tpu.memref_slice %arg4[%add3A, %dma_wait3A_81, %dma_wait3A_82] : memref<32x80x128xi32, #tpu.memory_space<hbm>> -> memref<1x40x128xi32, #tpu.memory_space<hbm>>
      %dma_wait3A_84 = tpu.memref_squeeze %dma_wait3A_83 : memref<1x40x128xi32, #tpu.memory_space<hbm>> -> memref<40x128xi32, #tpu.memory_space<hbm>>
      tpu.wait_dma2 semaphore(%run_scoped3A : memref<!tpu.dma_semaphore, #tpu.memory_space<semaphore_mem>>) src(%dma_wait3A_84 : memref<40x128xi32, #tpu.memory_space<hbm>>) dst(%arg9 : memref<40x128xi32, #tpu.memory_space<vmem>>)
      tpu.yield
    }) : () -> ()
    %dma_start3A = arith.constant 0 : i32
    %dma_start3A_3 = arith.constant 0 : i32
    %dma_start3A_4 = tpu.memref_slice %arg8[%dma_start3A, %dma_start3A_3] : memref<40x128xi32, #tpu.memory_space<vmem>> -> memref<1x128xi32, #tpu.memory_space<vmem>>
    %dma_start3A_5 = tpu.memref_squeeze %dma_start3A_4 : memref<1x128xi32, #tpu.memory_space<vmem>> -> memref<128xi32, #tpu.memory_space<vmem>>
    %dma_start3A_6 = arith.constant 0 : i32
    %dma_start3A_7 = arith.constant 0 : i32
    %dma_start3A_8 = tpu.memref_slice %arg2[%dma_start3A_6, %dma_start3A_7] : memref<10240x128xf32, #tpu.memory_space<hbm>> -> memref<10240x128xf32, #tpu.memory_space<hbm>>
    tpu.enqueue_indirect_dma source(%dma_start3A_8 : memref<10240x128xf32, #tpu.memory_space<hbm>>) target(%arg11 : memref<128x128xf32, #tpu.memory_space<vmem>>) offsets(%dma_start3A_5 : memref<128xi32, #tpu.memory_space<vmem>>) semaphore(%arg13 : memref<!tpu.dma_semaphore, #tpu.memory_space<semaphore_mem>>)
    %dma_start3A_9 = arith.constant 1 : i32
    %dma_start3A_10 = arith.constant 0 : i32
    %dma_start3A_11 = tpu.memref_slice %arg8[%dma_start3A_9, %dma_start3A_10] : memref<40x128xi32, #tpu.memory_space<vmem>> -> memref<1x128xi32, #tpu.memory_space<vmem>>
    %dma_start3A_12 = tpu.memref_squeeze %dma_start3A_11 : memref<1x128xi32, #tpu.memory_space<vmem>> -> memref<128xi32, #tpu.memory_space<vmem>>
    %dma_start3A_13 = arith.constant 0 : i32
    %dma_start3A_14 = arith.constant 0 : i32
    %dma_start3A_15 = tpu.memref_slice %arg2[%dma_start3A_13, %dma_start3A_14] : memref<10240x128xf32, #tpu.memory_space<hbm>> -> memref<10240x128xf32, #tpu.memory_space<hbm>>
    tpu.enqueue_indirect_dma source(%dma_start3A_15 : memref<10240x128xf32, #tpu.memory_space<hbm>>) target(%arg12 : memref<128x128xf32, #tpu.memory_space<vmem>>) offsets(%dma_start3A_12 : memref<128xi32, #tpu.memory_space<vmem>>) semaphore(%arg14 : memref<!tpu.dma_semaphore, #tpu.memory_space<semaphore_mem>>)
    %scan3A = arith.constant 0 : i32
    %scan3A_16 = arith.constant 0 : i32
    %scan3A_17 = arith.constant 20 : i32
    %scan3A_18 = arith.addi %scan3A_16, %scan3A_17 : i32
    %scan3A_19 = arith.constant 1 : i32
    scf.for %scan3A_69 = %scan3A_16 to %scan3A_18 step %scan3A_19  : i32 {
      %mul3A_70 = arith.constant 2 : i32
      %mul3A_71 = arith.muli %scan3A_69, %mul3A_70 : i32
      %add3A_72 = arith.constant 0 : i32
      %add3A_73 = arith.addi %mul3A_71, %add3A_72 : i32
      %dma_wait3A_74 = arith.constant 0 : i32
      %dma_wait3A_75 = tpu.memref_slice %arg8[%add3A_73, %dma_wait3A_74] : memref<40x128xi32, #tpu.memory_space<vmem>> -> memref<1x128xi32, #tpu.memory_space<vmem>>
      %dma_wait3A_76 = tpu.memref_squeeze %dma_wait3A_75 : memref<1x128xi32, #tpu.memory_space<vmem>> -> memref<128xi32, #tpu.memory_space<vmem>>
      %dma_wait3A_77 = arith.constant 0 : i32
      %dma_wait3A_78 = arith.constant 0 : i32
      %dma_wait3A_79 = tpu.memref_slice %arg2[%dma_wait3A_77, %dma_wait3A_78] : memref<10240x128xf32, #tpu.memory_space<hbm>> -> memref<10240x128xf32, #tpu.memory_space<hbm>>
      tpu.wait_indirect_dma semaphore(%arg13 : memref<!tpu.dma_semaphore, #tpu.memory_space<semaphore_mem>>) src(%dma_wait3A_79 : memref<10240x128xf32, #tpu.memory_space<hbm>>) dst(%arg11 : memref<128x128xf32, #tpu.memory_space<vmem>>)
      "tpu.region"() ({
        %run_scoped3A = tpu.sem_alloc : memref<!tpu.dma_semaphore, #tpu.memory_space<semaphore_mem>>
        %dma_start3A_109 = arith.constant 0 : i32
        %dma_start3A_110 = tpu.memref_slice %arg9[%add3A_73, %dma_start3A_109] : memref<40x128xi32, #tpu.memory_space<vmem>> -> memref<1x128xi32, #tpu.memory_space<vmem>>
        %dma_start3A_111 = tpu.memref_squeeze %dma_start3A_110 : memref<1x128xi32, #tpu.memory_space<vmem>> -> memref<128xi32, #tpu.memory_space<vmem>>
        %dma_start3A_112 = arith.constant 0 : i32
        %dma_start3A_113 = arith.constant 0 : i32
        %dma_start3A_114 = tpu.memref_slice %arg10[%dma_start3A_112, %dma_start3A_113] : memref<10240x128xf32, #tpu.memory_space<vmem_shared>> -> memref<10240x128xf32, #tpu.memory_space<vmem_shared>>
        tpu.enqueue_indirect_dma source(%arg11 : memref<128x128xf32, #tpu.memory_space<vmem>>) target(%dma_start3A_114 : memref<10240x128xf32, #tpu.memory_space<vmem_shared>>) offsets(%dma_start3A_111 : memref<128xi32, #tpu.memory_space<vmem>>) semaphore(%run_scoped3A : memref<!tpu.dma_semaphore, #tpu.memory_space<semaphore_mem>>) {add = true}
        %dma_wait3A_115 = arith.constant 0 : i32
        %dma_wait3A_116 = tpu.memref_slice %arg9[%add3A_73, %dma_wait3A_115] : memref<40x128xi32, #tpu.memory_space<vmem>> -> memref<1x128xi32, #tpu.memory_space<vmem>>
        %dma_wait3A_117 = tpu.memref_squeeze %dma_wait3A_116 : memref<1x128xi32, #tpu.memory_space<vmem>> -> memref<128xi32, #tpu.memory_space<vmem>>
        %dma_wait3A_118 = arith.constant 0 : i32
        %dma_wait3A_119 = arith.constant 0 : i32
        %dma_wait3A_120 = tpu.memref_slice %arg10[%dma_wait3A_118, %dma_wait3A_119] : memref<10240x128xf32, #tpu.memory_space<vmem_shared>> -> memref<10240x128xf32, #tpu.memory_space<vmem_shared>>
        tpu.wait_indirect_dma semaphore(%run_scoped3A : memref<!tpu.dma_semaphore, #tpu.memory_space<semaphore_mem>>) src(%arg11 : memref<128x128xf32, #tpu.memory_space<vmem>>) dst(%dma_wait3A_120 : memref<10240x128xf32, #tpu.memory_space<vmem_shared>>)
        tpu.yield
      }) : () -> ()
      %add3A_80 = arith.constant 2 : i32
      %add3A_81 = arith.addi %add3A_73, %add3A_80 : i32
      %min3A = arith.constant 39 : i32
      %min3A_82 = arith.minsi %add3A_81, %min3A : i32
      %dma_start3A_83 = arith.constant 0 : i32
      %dma_start3A_84 = tpu.memref_slice %arg8[%min3A_82, %dma_start3A_83] : memref<40x128xi32, #tpu.memory_space<vmem>> -> memref<1x128xi32, #tpu.memory_space<vmem>>
      %dma_start3A_85 = tpu.memref_squeeze %dma_start3A_84 : memref<1x128xi32, #tpu.memory_space<vmem>> -> memref<128xi32, #tpu.memory_space<vmem>>
      %dma_start3A_86 = arith.constant 0 : i32
      %dma_start3A_87 = arith.constant 0 : i32
      %dma_start3A_88 = tpu.memref_slice %arg2[%dma_start3A_86, %dma_start3A_87] : memref<10240x128xf32, #tpu.memory_space<hbm>> -> memref<10240x128xf32, #tpu.memory_space<hbm>>
      tpu.enqueue_indirect_dma source(%dma_start3A_88 : memref<10240x128xf32, #tpu.memory_space<hbm>>) target(%arg11 : memref<128x128xf32, #tpu.memory_space<vmem>>) offsets(%dma_start3A_85 : memref<128xi32, #tpu.memory_space<vmem>>) semaphore(%arg13 : memref<!tpu.dma_semaphore, #tpu.memory_space<semaphore_mem>>)
      %mul3A_89 = arith.constant 2 : i32
      %mul3A_90 = arith.muli %scan3A_69, %mul3A_89 : i32
      %add3A_91 = arith.constant 1 : i32
      %add3A_92 = arith.addi %mul3A_90, %add3A_91 : i32
      %dma_wait3A_93 = arith.constant 0 : i32
      %dma_wait3A_94 = tpu.memref_slice %arg8[%add3A_92, %dma_wait3A_93] : memref<40x128xi32, #tpu.memory_space<vmem>> -> memref<1x128xi32, #tpu.memory_space<vmem>>
      %dma_wait3A_95 = tpu.memref_squeeze %dma_wait3A_94 : memref<1x128xi32, #tpu.memory_space<vmem>> -> memref<128xi32, #tpu.memory_space<vmem>>
      %dma_wait3A_96 = arith.constant 0 : i32
      %dma_wait3A_97 = arith.constant 0 : i32
      %dma_wait3A_98 = tpu.memref_slice %arg2[%dma_wait3A_96, %dma_wait3A_97] : memref<10240x128xf32, #tpu.memory_space<hbm>> -> memref<10240x128xf32, #tpu.memory_space<hbm>>
      tpu.wait_indirect_dma semaphore(%arg14 : memref<!tpu.dma_semaphore, #tpu.memory_space<semaphore_mem>>) src(%dma_wait3A_98 : memref<10240x128xf32, #tpu.memory_space<hbm>>) dst(%arg12 : memref<128x128xf32, #tpu.memory_space<vmem>>)
      "tpu.region"() ({
        %run_scoped3A = tpu.sem_alloc : memref<!tpu.dma_semaphore, #tpu.memory_space<semaphore_mem>>
        %dma_start3A_109 = arith.constant 0 : i32
        %dma_start3A_110 = tpu.memref_slice %arg9[%add3A_92, %dma_start3A_109] : memref<40x128xi32, #tpu.memory_space<vmem>> -> memref<1x128xi32, #tpu.memory_space<vmem>>
        %dma_start3A_111 = tpu.memref_squeeze %dma_start3A_110 : memref<1x128xi32, #tpu.memory_space<vmem>> -> memref<128xi32, #tpu.memory_space<vmem>>
        %dma_start3A_112 = arith.constant 0 : i32
        %dma_start3A_113 = arith.constant 0 : i32
        %dma_start3A_114 = tpu.memref_slice %arg10[%dma_start3A_112, %dma_start3A_113] : memref<10240x128xf32, #tpu.memory_space<vmem_shared>> -> memref<10240x128xf32, #tpu.memory_space<vmem_shared>>
        tpu.enqueue_indirect_dma source(%arg12 : memref<128x128xf32, #tpu.memory_space<vmem>>) target(%dma_start3A_114 : memref<10240x128xf32, #tpu.memory_space<vmem_shared>>) offsets(%dma_start3A_111 : memref<128xi32, #tpu.memory_space<vmem>>) semaphore(%run_scoped3A : memref<!tpu.dma_semaphore, #tpu.memory_space<semaphore_mem>>) {add = true}
        %dma_wait3A_115 = arith.constant 0 : i32
        %dma_wait3A_116 = tpu.memref_slice %arg9[%add3A_92, %dma_wait3A_115] : memref<40x128xi32, #tpu.memory_space<vmem>> -> memref<1x128xi32, #tpu.memory_space<vmem>>
        %dma_wait3A_117 = tpu.memref_squeeze %dma_wait3A_116 : memref<1x128xi32, #tpu.memory_space<vmem>> -> memref<128xi32, #tpu.memory_space<vmem>>
        %dma_wait3A_118 = arith.constant 0 : i32
        %dma_wait3A_119 = arith.constant 0 : i32
        %dma_wait3A_120 = tpu.memref_slice %arg10[%dma_wait3A_118, %dma_wait3A_119] : memref<10240x128xf32, #tpu.memory_space<vmem_shared>> -> memref<10240x128xf32, #tpu.memory_space<vmem_shared>>
        tpu.wait_indirect_dma semaphore(%run_scoped3A : memref<!tpu.dma_semaphore, #tpu.memory_space<semaphore_mem>>) src(%arg12 : memref<128x128xf32, #tpu.memory_space<vmem>>) dst(%dma_wait3A_120 : memref<10240x128xf32, #tpu.memory_space<vmem_shared>>)
        tpu.yield
      }) : () -> ()
      %add3A_99 = arith.constant 2 : i32
      %add3A_100 = arith.addi %add3A_92, %add3A_99 : i32
      %min3A_101 = arith.constant 39 : i32
      %min3A_102 = arith.minsi %add3A_100, %min3A_101 : i32
      %dma_start3A_103 = arith.constant 0 : i32
      %dma_start3A_104 = tpu.memref_slice %arg8[%min3A_102, %dma_start3A_103] : memref<40x128xi32, #tpu.memory_space<vmem>> -> memref<1x128xi32, #tpu.memory_space<vmem>>
      %dma_start3A_105 = tpu.memref_squeeze %dma_start3A_104 : memref<1x128xi32, #tpu.memory_space<vmem>> -> memref<128xi32, #tpu.memory_space<vmem>>
      %dma_start3A_106 = arith.constant 0 : i32
      %dma_start3A_107 = arith.constant 0 : i32
      %dma_start3A_108 = tpu.memref_slice %arg2[%dma_start3A_106, %dma_start3A_107] : memref<10240x128xf32, #tpu.memory_space<hbm>> -> memref<10240x128xf32, #tpu.memory_space<hbm>>
      tpu.enqueue_indirect_dma source(%dma_start3A_108 : memref<10240x128xf32, #tpu.memory_space<hbm>>) target(%arg12 : memref<128x128xf32, #tpu.memory_space<vmem>>) offsets(%dma_start3A_105 : memref<128xi32, #tpu.memory_space<vmem>>) semaphore(%arg14 : memref<!tpu.dma_semaphore, #tpu.memory_space<semaphore_mem>>)
    }
    %scan3A_20 = arith.constant 20 : i32
    %dma_wait3A = arith.constant 39 : i32
    %dma_wait3A_21 = arith.constant 0 : i32
    %dma_wait3A_22 = tpu.memref_slice %arg8[%dma_wait3A, %dma_wait3A_21] : memref<40x128xi32, #tpu.memory_space<vmem>> -> memref<1x128xi32, #tpu.memory_space<vmem>>
    %dma_wait3A_23 = tpu.memref_squeeze %dma_wait3A_22 : memref<1x128xi32, #tpu.memory_space<vmem>> -> memref<128xi32, #tpu.memory_space<vmem>>
    %dma_wait3A_24 = arith.constant 0 : i32
    %dma_wait3A_25 = arith.constant 0 : i32
    %dma_wait3A_26 = tpu.memref_slice %arg2[%dma_wait3A_24, %dma_wait3A_25] : memref<10240x128xf32, #tpu.memory_space<hbm>> -> memref<10240x128xf32, #tpu.memory_space<hbm>>
    tpu.wait_indirect_dma semaphore(%arg13 : memref<!tpu.dma_semaphore, #tpu.memory_space<semaphore_mem>>) src(%dma_wait3A_26 : memref<10240x128xf32, #tpu.memory_space<hbm>>) dst(%arg11 : memref<128x128xf32, #tpu.memory_space<vmem>>)
    %dma_wait3A_27 = arith.constant 39 : i32
    %dma_wait3A_28 = arith.constant 0 : i32
    %dma_wait3A_29 = tpu.memref_slice %arg8[%dma_wait3A_27, %dma_wait3A_28] : memref<40x128xi32, #tpu.memory_space<vmem>> -> memref<1x128xi32, #tpu.memory_space<vmem>>
    %dma_wait3A_30 = tpu.memref_squeeze %dma_wait3A_29 : memref<1x128xi32, #tpu.memory_space<vmem>> -> memref<128xi32, #tpu.memory_space<vmem>>
    %dma_wait3A_31 = arith.constant 0 : i32
    %dma_wait3A_32 = arith.constant 0 : i32
    %dma_wait3A_33 = tpu.memref_slice %arg2[%dma_wait3A_31, %dma_wait3A_32] : memref<10240x128xf32, #tpu.memory_space<hbm>> -> memref<10240x128xf32, #tpu.memory_space<hbm>>
    tpu.wait_indirect_dma semaphore(%arg14 : memref<!tpu.dma_semaphore, #tpu.memory_space<semaphore_mem>>) src(%dma_wait3A_33 : memref<10240x128xf32, #tpu.memory_space<hbm>>) dst(%arg12 : memref<128x128xf32, #tpu.memory_space<vmem>>)
    "tpu.region"() ({
      %run_scoped3A = tpu.sem_alloc : memref<!tpu.dma_semaphore, #tpu.memory_space<semaphore_mem>>
      %dma_start3A_69 = arith.constant 40 : i32
      %dma_start3A_70 = arith.constant 0 : i32
      %dma_start3A_71 = tpu.memref_slice %arg3[%add3A, %dma_start3A_69, %dma_start3A_70] : memref<32x80x128xi32, #tpu.memory_space<hbm>> -> memref<1x40x128xi32, #tpu.memory_space<hbm>>
      %dma_start3A_72 = tpu.memref_squeeze %dma_start3A_71 : memref<1x40x128xi32, #tpu.memory_space<hbm>> -> memref<40x128xi32, #tpu.memory_space<hbm>>
      %dma_start3A_73 = arith.constant 40 : i32
      %dma_start3A_74 = arith.constant 0 : i32
      %dma_start3A_75 = tpu.memref_slice %arg3[%add3A, %dma_start3A_73, %dma_start3A_74] : memref<32x80x128xi32, #tpu.memory_space<hbm>> -> memref<1x40x128xi32, #tpu.memory_space<hbm>>
      %dma_start3A_76 = tpu.memref_squeeze %dma_start3A_75 : memref<1x40x128xi32, #tpu.memory_space<hbm>> -> memref<40x128xi32, #tpu.memory_space<hbm>>
      tpu.enqueue_dma source(%dma_start3A_76 : memref<40x128xi32, #tpu.memory_space<hbm>>) target(%arg8 : memref<40x128xi32, #tpu.memory_space<vmem>>) target_semaphore(%run_scoped3A : memref<!tpu.dma_semaphore, #tpu.memory_space<semaphore_mem>>)
      %dma_wait3A_77 = arith.constant 40 : i32
      %dma_wait3A_78 = arith.constant 0 : i32
      %dma_wait3A_79 = tpu.memref_slice %arg3[%add3A, %dma_wait3A_77, %dma_wait3A_78] : memref<32x80x128xi32, #tpu.memory_space<hbm>> -> memref<1x40x128xi32, #tpu.memory_space<hbm>>
      %dma_wait3A_80 = tpu.memref_squeeze %dma_wait3A_79 : memref<1x40x128xi32, #tpu.memory_space<hbm>> -> memref<40x128xi32, #tpu.memory_space<hbm>>
      %dma_wait3A_81 = arith.constant 40 : i32
      %dma_wait3A_82 = arith.constant 0 : i32
      %dma_wait3A_83 = tpu.memref_slice %arg3[%add3A, %dma_wait3A_81, %dma_wait3A_82] : memref<32x80x128xi32, #tpu.memory_space<hbm>> -> memref<1x40x128xi32, #tpu.memory_space<hbm>>
      %dma_wait3A_84 = tpu.memref_squeeze %dma_wait3A_83 : memref<1x40x128xi32, #tpu.memory_space<hbm>> -> memref<40x128xi32, #tpu.memory_space<hbm>>
      tpu.wait_dma2 semaphore(%run_scoped3A : memref<!tpu.dma_semaphore, #tpu.memory_space<semaphore_mem>>) src(%dma_wait3A_84 : memref<40x128xi32, #tpu.memory_space<hbm>>) dst(%arg8 : memref<40x128xi32, #tpu.memory_space<vmem>>)
      tpu.yield
    }) : () -> ()
    "tpu.region"() ({
      %run_scoped3A = tpu.sem_alloc : memref<!tpu.dma_semaphore, #tpu.memory_space<semaphore_mem>>
      %dma_start3A_69 = arith.constant 40 : i32
      %dma_start3A_70 = arith.constant 0 : i32
      %dma_start3A_71 = tpu.memref_slice %arg4[%add3A, %dma_start3A_69, %dma_start3A_70] : memref<32x80x128xi32, #tpu.memory_space<hbm>> -> memref<1x40x128xi32, #tpu.memory_space<hbm>>
      %dma_start3A_72 = tpu.memref_squeeze %dma_start3A_71 : memref<1x40x128xi32, #tpu.memory_space<hbm>> -> memref<40x128xi32, #tpu.memory_space<hbm>>
      %dma_start3A_73 = arith.constant 40 : i32
      %dma_start3A_74 = arith.constant 0 : i32
      %dma_start3A_75 = tpu.memref_slice %arg4[%add3A, %dma_start3A_73, %dma_start3A_74] : memref<32x80x128xi32, #tpu.memory_space<hbm>> -> memref<1x40x128xi32, #tpu.memory_space<hbm>>
      %dma_start3A_76 = tpu.memref_squeeze %dma_start3A_75 : memref<1x40x128xi32, #tpu.memory_space<hbm>> -> memref<40x128xi32, #tpu.memory_space<hbm>>
      tpu.enqueue_dma source(%dma_start3A_76 : memref<40x128xi32, #tpu.memory_space<hbm>>) target(%arg9 : memref<40x128xi32, #tpu.memory_space<vmem>>) target_semaphore(%run_scoped3A : memref<!tpu.dma_semaphore, #tpu.memory_space<semaphore_mem>>)
      %dma_wait3A_77 = arith.constant 40 : i32
      %dma_wait3A_78 = arith.constant 0 : i32
      %dma_wait3A_79 = tpu.memref_slice %arg4[%add3A, %dma_wait3A_77, %dma_wait3A_78] : memref<32x80x128xi32, #tpu.memory_space<hbm>> -> memref<1x40x128xi32, #tpu.memory_space<hbm>>
      %dma_wait3A_80 = tpu.memref_squeeze %dma_wait3A_79 : memref<1x40x128xi32, #tpu.memory_space<hbm>> -> memref<40x128xi32, #tpu.memory_space<hbm>>
      %dma_wait3A_81 = arith.constant 40 : i32
      %dma_wait3A_82 = arith.constant 0 : i32
      %dma_wait3A_83 = tpu.memref_slice %arg4[%add3A, %dma_wait3A_81, %dma_wait3A_82] : memref<32x80x128xi32, #tpu.memory_space<hbm>> -> memref<1x40x128xi32, #tpu.memory_space<hbm>>
      %dma_wait3A_84 = tpu.memref_squeeze %dma_wait3A_83 : memref<1x40x128xi32, #tpu.memory_space<hbm>> -> memref<40x128xi32, #tpu.memory_space<hbm>>
      tpu.wait_dma2 semaphore(%run_scoped3A : memref<!tpu.dma_semaphore, #tpu.memory_space<semaphore_mem>>) src(%dma_wait3A_84 : memref<40x128xi32, #tpu.memory_space<hbm>>) dst(%arg9 : memref<40x128xi32, #tpu.memory_space<vmem>>)
      tpu.yield
    }) : () -> ()
    %dma_start3A_34 = arith.constant 0 : i32
    %dma_start3A_35 = arith.constant 0 : i32
    %dma_start3A_36 = tpu.memref_slice %arg8[%dma_start3A_34, %dma_start3A_35] : memref<40x128xi32, #tpu.memory_space<vmem>> -> memref<1x128xi32, #tpu.memory_space<vmem>>
    %dma_start3A_37 = tpu.memref_squeeze %dma_start3A_36 : memref<1x128xi32, #tpu.memory_space<vmem>> -> memref<128xi32, #tpu.memory_space<vmem>>
    %dma_start3A_38 = arith.constant 0 : i32
    %dma_start3A_39 = arith.constant 0 : i32
    %dma_start3A_40 = tpu.memref_slice %arg2[%dma_start3A_38, %dma_start3A_39] : memref<10240x128xf32, #tpu.memory_space<hbm>> -> memref<10240x128xf32, #tpu.memory_space<hbm>>
    tpu.enqueue_indirect_dma source(%dma_start3A_40 : memref<10240x128xf32, #tpu.memory_space<hbm>>) target(%arg11 : memref<128x128xf32, #tpu.memory_space<vmem>>) offsets(%dma_start3A_37 : memref<128xi32, #tpu.memory_space<vmem>>) semaphore(%arg13 : memref<!tpu.dma_semaphore, #tpu.memory_space<semaphore_mem>>)
    %dma_start3A_41 = arith.constant 1 : i32
    %dma_start3A_42 = arith.constant 0 : i32
    %dma_start3A_43 = tpu.memref_slice %arg8[%dma_start3A_41, %dma_start3A_42] : memref<40x128xi32, #tpu.memory_space<vmem>> -> memref<1x128xi32, #tpu.memory_space<vmem>>
    %dma_start3A_44 = tpu.memref_squeeze %dma_start3A_43 : memref<1x128xi32, #tpu.memory_space<vmem>> -> memref<128xi32, #tpu.memory_space<vmem>>
    %dma_start3A_45 = arith.constant 0 : i32
    %dma_start3A_46 = arith.constant 0 : i32
    %dma_start3A_47 = tpu.memref_slice %arg2[%dma_start3A_45, %dma_start3A_46] : memref<10240x128xf32, #tpu.memory_space<hbm>> -> memref<10240x128xf32, #tpu.memory_space<hbm>>
    tpu.enqueue_indirect_dma source(%dma_start3A_47 : memref<10240x128xf32, #tpu.memory_space<hbm>>) target(%arg12 : memref<128x128xf32, #tpu.memory_space<vmem>>) offsets(%dma_start3A_44 : memref<128xi32, #tpu.memory_space<vmem>>) semaphore(%arg14 : memref<!tpu.dma_semaphore, #tpu.memory_space<semaphore_mem>>)
    %scan3A_48 = arith.constant 0 : i32
    %scan3A_49 = arith.constant 0 : i32
    %scan3A_50 = arith.constant 20 : i32
    %scan3A_51 = arith.addi %scan3A_49, %scan3A_50 : i32
    %scan3A_52 = arith.constant 1 : i32
    scf.for %scan3A_69 = %scan3A_49 to %scan3A_51 step %scan3A_52  : i32 {
      %mul3A_70 = arith.constant 2 : i32
      %mul3A_71 = arith.muli %scan3A_69, %mul3A_70 : i32
      %add3A_72 = arith.constant 0 : i32
      %add3A_73 = arith.addi %mul3A_71, %add3A_72 : i32
      %dma_wait3A_74 = arith.constant 0 : i32
      %dma_wait3A_75 = tpu.memref_slice %arg8[%add3A_73, %dma_wait3A_74] : memref<40x128xi32, #tpu.memory_space<vmem>> -> memref<1x128xi32, #tpu.memory_space<vmem>>
      %dma_wait3A_76 = tpu.memref_squeeze %dma_wait3A_75 : memref<1x128xi32, #tpu.memory_space<vmem>> -> memref<128xi32, #tpu.memory_space<vmem>>
      %dma_wait3A_77 = arith.constant 0 : i32
      %dma_wait3A_78 = arith.constant 0 : i32
      %dma_wait3A_79 = tpu.memref_slice %arg2[%dma_wait3A_77, %dma_wait3A_78] : memref<10240x128xf32, #tpu.memory_space<hbm>> -> memref<10240x128xf32, #tpu.memory_space<hbm>>
      tpu.wait_indirect_dma semaphore(%arg13 : memref<!tpu.dma_semaphore, #tpu.memory_space<semaphore_mem>>) src(%dma_wait3A_79 : memref<10240x128xf32, #tpu.memory_space<hbm>>) dst(%arg11 : memref<128x128xf32, #tpu.memory_space<vmem>>)
      "tpu.region"() ({
        %run_scoped3A = tpu.sem_alloc : memref<!tpu.dma_semaphore, #tpu.memory_space<semaphore_mem>>
        %dma_start3A_109 = arith.constant 0 : i32
        %dma_start3A_110 = tpu.memref_slice %arg9[%add3A_73, %dma_start3A_109] : memref<40x128xi32, #tpu.memory_space<vmem>> -> memref<1x128xi32, #tpu.memory_space<vmem>>
        %dma_start3A_111 = tpu.memref_squeeze %dma_start3A_110 : memref<1x128xi32, #tpu.memory_space<vmem>> -> memref<128xi32, #tpu.memory_space<vmem>>
        %dma_start3A_112 = arith.constant 0 : i32
        %dma_start3A_113 = arith.constant 0 : i32
        %dma_start3A_114 = tpu.memref_slice %arg10[%dma_start3A_112, %dma_start3A_113] : memref<10240x128xf32, #tpu.memory_space<vmem_shared>> -> memref<10240x128xf32, #tpu.memory_space<vmem_shared>>
        tpu.enqueue_indirect_dma source(%arg11 : memref<128x128xf32, #tpu.memory_space<vmem>>) target(%dma_start3A_114 : memref<10240x128xf32, #tpu.memory_space<vmem_shared>>) offsets(%dma_start3A_111 : memref<128xi32, #tpu.memory_space<vmem>>) semaphore(%run_scoped3A : memref<!tpu.dma_semaphore, #tpu.memory_space<semaphore_mem>>) {add = true}
        %dma_wait3A_115 = arith.constant 0 : i32
        %dma_wait3A_116 = tpu.memref_slice %arg9[%add3A_73, %dma_wait3A_115] : memref<40x128xi32, #tpu.memory_space<vmem>> -> memref<1x128xi32, #tpu.memory_space<vmem>>
        %dma_wait3A_117 = tpu.memref_squeeze %dma_wait3A_116 : memref<1x128xi32, #tpu.memory_space<vmem>> -> memref<128xi32, #tpu.memory_space<vmem>>
        %dma_wait3A_118 = arith.constant 0 : i32
        %dma_wait3A_119 = arith.constant 0 : i32
        %dma_wait3A_120 = tpu.memref_slice %arg10[%dma_wait3A_118, %dma_wait3A_119] : memref<10240x128xf32, #tpu.memory_space<vmem_shared>> -> memref<10240x128xf32, #tpu.memory_space<vmem_shared>>
        tpu.wait_indirect_dma semaphore(%run_scoped3A : memref<!tpu.dma_semaphore, #tpu.memory_space<semaphore_mem>>) src(%arg11 : memref<128x128xf32, #tpu.memory_space<vmem>>) dst(%dma_wait3A_120 : memref<10240x128xf32, #tpu.memory_space<vmem_shared>>)
        tpu.yield
      }) : () -> ()
      %add3A_80 = arith.constant 2 : i32
      %add3A_81 = arith.addi %add3A_73, %add3A_80 : i32
      %min3A = arith.constant 39 : i32
      %min3A_82 = arith.minsi %add3A_81, %min3A : i32
      %dma_start3A_83 = arith.constant 0 : i32
      %dma_start3A_84 = tpu.memref_slice %arg8[%min3A_82, %dma_start3A_83] : memref<40x128xi32, #tpu.memory_space<vmem>> -> memref<1x128xi32, #tpu.memory_space<vmem>>
      %dma_start3A_85 = tpu.memref_squeeze %dma_start3A_84 : memref<1x128xi32, #tpu.memory_space<vmem>> -> memref<128xi32, #tpu.memory_space<vmem>>
      %dma_start3A_86 = arith.constant 0 : i32
      %dma_start3A_87 = arith.constant 0 : i32
      %dma_start3A_88 = tpu.memref_slice %arg2[%dma_start3A_86, %dma_start3A_87] : memref<10240x128xf32, #tpu.memory_space<hbm>> -> memref<10240x128xf32, #tpu.memory_space<hbm>>
      tpu.enqueue_indirect_dma source(%dma_start3A_88 : memref<10240x128xf32, #tpu.memory_space<hbm>>) target(%arg11 : memref<128x128xf32, #tpu.memory_space<vmem>>) offsets(%dma_start3A_85 : memref<128xi32, #tpu.memory_space<vmem>>) semaphore(%arg13 : memref<!tpu.dma_semaphore, #tpu.memory_space<semaphore_mem>>)
      %mul3A_89 = arith.constant 2 : i32
      %mul3A_90 = arith.muli %scan3A_69, %mul3A_89 : i32
      %add3A_91 = arith.constant 1 : i32
      %add3A_92 = arith.addi %mul3A_90, %add3A_91 : i32
      %dma_wait3A_93 = arith.constant 0 : i32
      %dma_wait3A_94 = tpu.memref_slice %arg8[%add3A_92, %dma_wait3A_93] : memref<40x128xi32, #tpu.memory_space<vmem>> -> memref<1x128xi32, #tpu.memory_space<vmem>>
      %dma_wait3A_95 = tpu.memref_squeeze %dma_wait3A_94 : memref<1x128xi32, #tpu.memory_space<vmem>> -> memref<128xi32, #tpu.memory_space<vmem>>
      %dma_wait3A_96 = arith.constant 0 : i32
      %dma_wait3A_97 = arith.constant 0 : i32
      %dma_wait3A_98 = tpu.memref_slice %arg2[%dma_wait3A_96, %dma_wait3A_97] : memref<10240x128xf32, #tpu.memory_space<hbm>> -> memref<10240x128xf32, #tpu.memory_space<hbm>>
      tpu.wait_indirect_dma semaphore(%arg14 : memref<!tpu.dma_semaphore, #tpu.memory_space<semaphore_mem>>) src(%dma_wait3A_98 : memref<10240x128xf32, #tpu.memory_space<hbm>>) dst(%arg12 : memref<128x128xf32, #tpu.memory_space<vmem>>)
      "tpu.region"() ({
        %run_scoped3A = tpu.sem_alloc : memref<!tpu.dma_semaphore, #tpu.memory_space<semaphore_mem>>
        %dma_start3A_109 = arith.constant 0 : i32
        %dma_start3A_110 = tpu.memref_slice %arg9[%add3A_92, %dma_start3A_109] : memref<40x128xi32, #tpu.memory_space<vmem>> -> memref<1x128xi32, #tpu.memory_space<vmem>>
        %dma_start3A_111 = tpu.memref_squeeze %dma_start3A_110 : memref<1x128xi32, #tpu.memory_space<vmem>> -> memref<128xi32, #tpu.memory_space<vmem>>
        %dma_start3A_112 = arith.constant 0 : i32
        %dma_start3A_113 = arith.constant 0 : i32
        %dma_start3A_114 = tpu.memref_slice %arg10[%dma_start3A_112, %dma_start3A_113] : memref<10240x128xf32, #tpu.memory_space<vmem_shared>> -> memref<10240x128xf32, #tpu.memory_space<vmem_shared>>
        tpu.enqueue_indirect_dma source(%arg12 : memref<128x128xf32, #tpu.memory_space<vmem>>) target(%dma_start3A_114 : memref<10240x128xf32, #tpu.memory_space<vmem_shared>>) offsets(%dma_start3A_111 : memref<128xi32, #tpu.memory_space<vmem>>) semaphore(%run_scoped3A : memref<!tpu.dma_semaphore, #tpu.memory_space<semaphore_mem>>) {add = true}
        %dma_wait3A_115 = arith.constant 0 : i32
        %dma_wait3A_116 = tpu.memref_slice %arg9[%add3A_92, %dma_wait3A_115] : memref<40x128xi32, #tpu.memory_space<vmem>> -> memref<1x128xi32, #tpu.memory_space<vmem>>
        %dma_wait3A_117 = tpu.memref_squeeze %dma_wait3A_116 : memref<1x128xi32, #tpu.memory_space<vmem>> -> memref<128xi32, #tpu.memory_space<vmem>>
        %dma_wait3A_118 = arith.constant 0 : i32
        %dma_wait3A_119 = arith.constant 0 : i32
        %dma_wait3A_120 = tpu.memref_slice %arg10[%dma_wait3A_118, %dma_wait3A_119] : memref<10240x128xf32, #tpu.memory_space<vmem_shared>> -> memref<10240x128xf32, #tpu.memory_space<vmem_shared>>
        tpu.wait_indirect_dma semaphore(%run_scoped3A : memref<!tpu.dma_semaphore, #tpu.memory_space<semaphore_mem>>) src(%arg12 : memref<128x128xf32, #tpu.memory_space<vmem>>) dst(%dma_wait3A_120 : memref<10240x128xf32, #tpu.memory_space<vmem_shared>>)
        tpu.yield
      }) : () -> ()
      %add3A_99 = arith.constant 2 : i32
      %add3A_100 = arith.addi %add3A_92, %add3A_99 : i32
      %min3A_101 = arith.constant 39 : i32
      %min3A_102 = arith.minsi %add3A_100, %min3A_101 : i32
      %dma_start3A_103 = arith.constant 0 : i32
      %dma_start3A_104 = tpu.memref_slice %arg8[%min3A_102, %dma_start3A_103] : memref<40x128xi32, #tpu.memory_space<vmem>> -> memref<1x128xi32, #tpu.memory_space<vmem>>
      %dma_start3A_105 = tpu.memref_squeeze %dma_start3A_104 : memref<1x128xi32, #tpu.memory_space<vmem>> -> memref<128xi32, #tpu.memory_space<vmem>>
      %dma_start3A_106 = arith.constant 0 : i32
      %dma_start3A_107 = arith.constant 0 : i32
      %dma_start3A_108 = tpu.memref_slice %arg2[%dma_start3A_106, %dma_start3A_107] : memref<10240x128xf32, #tpu.memory_space<hbm>> -> memref<10240x128xf32, #tpu.memory_space<hbm>>
      tpu.enqueue_indirect_dma source(%dma_start3A_108 : memref<10240x128xf32, #tpu.memory_space<hbm>>) target(%arg12 : memref<128x128xf32, #tpu.memory_space<vmem>>) offsets(%dma_start3A_105 : memref<128xi32, #tpu.memory_space<vmem>>) semaphore(%arg14 : memref<!tpu.dma_semaphore, #tpu.memory_space<semaphore_mem>>)
    }
    %scan3A_53 = arith.constant 20 : i32
    %dma_wait3A_54 = arith.constant 39 : i32
    %dma_wait3A_55 = arith.constant 0 : i32
    %dma_wait3A_56 = tpu.memref_slice %arg8[%dma_wait3A_54, %dma_wait3A_55] : memref<40x128xi32, #tpu.memory_space<vmem>> -> memref<1x128xi32, #tpu.memory_space<vmem>>
    %dma_wait3A_57 = tpu.memref_squeeze %dma_wait3A_56 : memref<1x128xi32, #tpu.memory_space<vmem>> -> memref<128xi32, #tpu.memory_space<vmem>>
    %dma_wait3A_58 = arith.constant 0 : i32
    %dma_wait3A_59 = arith.constant 0 : i32
    %dma_wait3A_60 = tpu.memref_slice %arg2[%dma_wait3A_58, %dma_wait3A_59] : memref<10240x128xf32, #tpu.memory_space<hbm>> -> memref<10240x128xf32, #tpu.memory_space<hbm>>
    tpu.wait_indirect_dma semaphore(%arg13 : memref<!tpu.dma_semaphore, #tpu.memory_space<semaphore_mem>>) src(%dma_wait3A_60 : memref<10240x128xf32, #tpu.memory_space<hbm>>) dst(%arg11 : memref<128x128xf32, #tpu.memory_space<vmem>>)
    %dma_wait3A_61 = arith.constant 39 : i32
    %dma_wait3A_62 = arith.constant 0 : i32
    %dma_wait3A_63 = tpu.memref_slice %arg8[%dma_wait3A_61, %dma_wait3A_62] : memref<40x128xi32, #tpu.memory_space<vmem>> -> memref<1x128xi32, #tpu.memory_space<vmem>>
    %dma_wait3A_64 = tpu.memref_squeeze %dma_wait3A_63 : memref<1x128xi32, #tpu.memory_space<vmem>> -> memref<128xi32, #tpu.memory_space<vmem>>
    %dma_wait3A_65 = arith.constant 0 : i32
    %dma_wait3A_66 = arith.constant 0 : i32
    %dma_wait3A_67 = tpu.memref_slice %arg2[%dma_wait3A_65, %dma_wait3A_66] : memref<10240x128xf32, #tpu.memory_space<hbm>> -> memref<10240x128xf32, #tpu.memory_space<hbm>>
    tpu.wait_indirect_dma semaphore(%arg14 : memref<!tpu.dma_semaphore, #tpu.memory_space<semaphore_mem>>) src(%dma_wait3A_67 : memref<10240x128xf32, #tpu.memory_space<hbm>>) dst(%arg12 : memref<128x128xf32, #tpu.memory_space<vmem>>)
    %barrier3A_68 = arith.constant 0 : index
    tpu.barrier barrier_id(%barrier3A_68)
    "tpu.region"() ({
      %run_scoped3A = tpu.sem_alloc : memref<!tpu.dma_semaphore, #tpu.memory_space<semaphore_mem>>
      %dma_start3A_69 = arith.constant 0 : i32
      %dma_start3A_70 = tpu.memref_slice %arg7[%arg0, %mul3A_2, %dma_start3A_69] : memref<2x10240x128xf32, #tpu.memory_space<hbm>> -> memref<1x640x128xf32, #tpu.memory_space<hbm>>
      %dma_start3A_71 = tpu.memref_squeeze %dma_start3A_70 : memref<1x640x128xf32, #tpu.memory_space<hbm>> -> memref<640x128xf32, #tpu.memory_space<hbm>>
      %dma_start3A_72 = arith.constant 0 : i32
      %dma_start3A_73 = tpu.memref_slice %arg10[%mul3A_2, %dma_start3A_72] : memref<10240x128xf32, #tpu.memory_space<vmem_shared>> -> memref<640x128xf32, #tpu.memory_space<vmem_shared>>
      tpu.enqueue_dma source(%dma_start3A_73 : memref<640x128xf32, #tpu.memory_space<vmem_shared>>) target(%dma_start3A_71 : memref<640x128xf32, #tpu.memory_space<hbm>>) target_semaphore(%run_scoped3A : memref<!tpu.dma_semaphore, #tpu.memory_space<semaphore_mem>>)
      %dma_wait3A_74 = arith.constant 0 : i32
      %dma_wait3A_75 = tpu.memref_slice %arg7[%arg0, %mul3A_2, %dma_wait3A_74] : memref<2x10240x128xf32, #tpu.memory_space<hbm>> -> memref<1x640x128xf32, #tpu.memory_space<hbm>>
      %dma_wait3A_76 = tpu.memref_squeeze %dma_wait3A_75 : memref<1x640x128xf32, #tpu.memory_space<hbm>> -> memref<640x128xf32, #tpu.memory_space<hbm>>
      %dma_wait3A_77 = arith.constant 0 : i32
      %dma_wait3A_78 = tpu.memref_slice %arg10[%mul3A_2, %dma_wait3A_77] : memref<10240x128xf32, #tpu.memory_space<vmem_shared>> -> memref<640x128xf32, #tpu.memory_space<vmem_shared>>
      tpu.wait_dma2 semaphore(%run_scoped3A : memref<!tpu.dma_semaphore, #tpu.memory_space<semaphore_mem>>) src(%dma_wait3A_78 : memref<640x128xf32, #tpu.memory_space<vmem_shared>>) dst(%dma_wait3A_76 : memref<640x128xf32, #tpu.memory_space<hbm>>)
      tpu.yield
    }) : () -> ()
    return
  }
}

#map = affine_map<(d0, d1) -> (0, 0)>
#map1 = affine_map<(d0, d1) -> (0, 0, 0)>
#map2 = affine_map<(d0, d1) -> (0)>
module attributes {stable_mosaic.version = 14 : i64} {
  func.func @agg(%arg0: i32, %arg1: i32, %arg2: memref<10240x128xf32, #tpu.memory_space<hbm>>, %arg3: memref<32x80x128xi32, #tpu.memory_space<hbm>>, %arg4: memref<32x80x128xi32, #tpu.memory_space<hbm>>, %arg5: memref<640x128xf32, #tpu.memory_space<hbm>>, %arg6: memref<640xf32, #tpu.memory_space<hbm>>, %arg7: memref<2x10240x128xf32, #tpu.memory_space<hbm>>, %arg8: memref<2x10240xf32, #tpu.memory_space<hbm>>, %arg9: memref<40x128xi32, #tpu.memory_space<vmem>>, %arg10: memref<40x128xi32, #tpu.memory_space<vmem>>, %arg11: memref<10240x128xf32, #tpu.memory_space<vmem_shared>>, %arg12: memref<128x128xf32, #tpu.memory_space<vmem>>, %arg13: memref<128x128xf32, #tpu.memory_space<vmem>>, %arg14: memref<!tpu.dma_semaphore, #tpu.memory_space<semaphore_mem>>, %arg15: memref<!tpu.dma_semaphore, #tpu.memory_space<semaphore_mem>>, %arg16: memref<128xf32, #tpu.memory_space<vmem>>, %arg17: memref<10240xf32, #tpu.memory_space<vmem_shared>>) attributes {dimension_semantics = [#tpu.dimension_semantics<core_parallel>, #tpu.dimension_semantics<subcore_parallel>], iteration_bounds = array<i64: 2, 16>, scalar_prefetch = 0 : i64, scratch_operands = 9 : i64, tpu.core_type = #tpu.core_type<sc_vector_subcore>, window_params = [{transform_indices = #map}, {transform_indices = #map1}, {transform_indices = #map1}, {transform_indices = #map}, {transform_indices = #map2}, {transform_indices = #map1}, {transform_indices = #map}]} {
    %mul3A = arith.constant 16 : i32
    %mul3A_0 = arith.muli %arg0, %mul3A : i32
    %add3A = arith.addi %mul3A_0, %arg1 : i32
    %mul3A_1 = arith.constant 640 : i32
    %mul3A_2 = arith.muli %arg1, %mul3A_1 : i32
    "tpu.region"() ({
      %run_scoped3A = tpu.sem_alloc : memref<!tpu.dma_semaphore, #tpu.memory_space<semaphore_mem>>
      %dma_start3A_117 = arith.constant 0 : i32
      %dma_start3A_118 = tpu.memref_slice %arg11[%mul3A_2, %dma_start3A_117] : memref<10240x128xf32, #tpu.memory_space<vmem_shared>> -> memref<640x128xf32, #tpu.memory_space<vmem_shared>>
      tpu.enqueue_dma source(%arg5 : memref<640x128xf32, #tpu.memory_space<hbm>>) target(%dma_start3A_118 : memref<640x128xf32, #tpu.memory_space<vmem_shared>>) target_semaphore(%run_scoped3A : memref<!tpu.dma_semaphore, #tpu.memory_space<semaphore_mem>>)
      %dma_wait3A_119 = arith.constant 0 : i32
      %dma_wait3A_120 = tpu.memref_slice %arg11[%mul3A_2, %dma_wait3A_119] : memref<10240x128xf32, #tpu.memory_space<vmem_shared>> -> memref<640x128xf32, #tpu.memory_space<vmem_shared>>
      tpu.wait_dma2 semaphore(%run_scoped3A : memref<!tpu.dma_semaphore, #tpu.memory_space<semaphore_mem>>) src(%arg5 : memref<640x128xf32, #tpu.memory_space<hbm>>) dst(%dma_wait3A_120 : memref<640x128xf32, #tpu.memory_space<vmem_shared>>)
      tpu.yield
    }) : () -> ()
    "tpu.region"() ({
      %run_scoped3A = tpu.sem_alloc : memref<!tpu.dma_semaphore, #tpu.memory_space<semaphore_mem>>
      %dma_start3A_117 = tpu.memref_slice %arg17[%mul3A_2] : memref<10240xf32, #tpu.memory_space<vmem_shared>> -> memref<640xf32, #tpu.memory_space<vmem_shared>>
      tpu.enqueue_dma source(%arg6 : memref<640xf32, #tpu.memory_space<hbm>>) target(%dma_start3A_117 : memref<640xf32, #tpu.memory_space<vmem_shared>>) target_semaphore(%run_scoped3A : memref<!tpu.dma_semaphore, #tpu.memory_space<semaphore_mem>>)
      %dma_wait3A_118 = tpu.memref_slice %arg17[%mul3A_2] : memref<10240xf32, #tpu.memory_space<vmem_shared>> -> memref<640xf32, #tpu.memory_space<vmem_shared>>
      tpu.wait_dma2 semaphore(%run_scoped3A : memref<!tpu.dma_semaphore, #tpu.memory_space<semaphore_mem>>) src(%arg6 : memref<640xf32, #tpu.memory_space<hbm>>) dst(%dma_wait3A_118 : memref<640xf32, #tpu.memory_space<vmem_shared>>)
      tpu.yield
    }) : () -> ()
    %broadcast_in_dim3A = arith.constant 1.000000e+00 : f32
    %broadcast_in_dim3A_3 = vector.broadcast %broadcast_in_dim3A : f32 to vector<16xf32>
    %swap3A = arith.constant 0 : index
    %swap3A_4 = tpu.vector_load %arg16[%swap3A] {strides = array<i32>} : memref<128xf32, #tpu.memory_space<vmem>>, vector<16xf32>,
    %swap3A_5 = vector.shape_cast %swap3A_4 : vector<16xf32> to vector<16xf32>
    %swap3A_6 = vector.shape_cast %broadcast_in_dim3A_3 : vector<16xf32> to vector<16xf32>
    tpu.vector_store %arg16[%swap3A], %swap3A_6 {strides = array<i32>} : memref<128xf32, #tpu.memory_space<vmem>>, vector<16xf32>,
    %broadcast_in_dim3A_7 = arith.constant 1.000000e+00 : f32
    %broadcast_in_dim3A_8 = vector.broadcast %broadcast_in_dim3A_7 : f32 to vector<16xf32>
    %swap3A_9 = arith.constant 16 : index
    %swap3A_10 = tpu.vector_load %arg16[%swap3A_9] {strides = array<i32>} : memref<128xf32, #tpu.memory_space<vmem>>, vector<16xf32>,
    %swap3A_11 = vector.shape_cast %swap3A_10 : vector<16xf32> to vector<16xf32>
    %swap3A_12 = vector.shape_cast %broadcast_in_dim3A_8 : vector<16xf32> to vector<16xf32>
    tpu.vector_store %arg16[%swap3A_9], %swap3A_12 {strides = array<i32>} : memref<128xf32, #tpu.memory_space<vmem>>, vector<16xf32>,
    %broadcast_in_dim3A_13 = arith.constant 1.000000e+00 : f32
    %broadcast_in_dim3A_14 = vector.broadcast %broadcast_in_dim3A_13 : f32 to vector<16xf32>
    %swap3A_15 = arith.constant 32 : index
    %swap3A_16 = tpu.vector_load %arg16[%swap3A_15] {strides = array<i32>} : memref<128xf32, #tpu.memory_space<vmem>>, vector<16xf32>,
    %swap3A_17 = vector.shape_cast %swap3A_16 : vector<16xf32> to vector<16xf32>
    %swap3A_18 = vector.shape_cast %broadcast_in_dim3A_14 : vector<16xf32> to vector<16xf32>
    tpu.vector_store %arg16[%swap3A_15], %swap3A_18 {strides = array<i32>} : memref<128xf32, #tpu.memory_space<vmem>>, vector<16xf32>,
    %broadcast_in_dim3A_19 = arith.constant 1.000000e+00 : f32
    %broadcast_in_dim3A_20 = vector.broadcast %broadcast_in_dim3A_19 : f32 to vector<16xf32>
    %swap3A_21 = arith.constant 48 : index
    %swap3A_22 = tpu.vector_load %arg16[%swap3A_21] {strides = array<i32>} : memref<128xf32, #tpu.memory_space<vmem>>, vector<16xf32>,
    %swap3A_23 = vector.shape_cast %swap3A_22 : vector<16xf32> to vector<16xf32>
    %swap3A_24 = vector.shape_cast %broadcast_in_dim3A_20 : vector<16xf32> to vector<16xf32>
    tpu.vector_store %arg16[%swap3A_21], %swap3A_24 {strides = array<i32>} : memref<128xf32, #tpu.memory_space<vmem>>, vector<16xf32>,
    %broadcast_in_dim3A_25 = arith.constant 1.000000e+00 : f32
    %broadcast_in_dim3A_26 = vector.broadcast %broadcast_in_dim3A_25 : f32 to vector<16xf32>
    %swap3A_27 = arith.constant 64 : index
    %swap3A_28 = tpu.vector_load %arg16[%swap3A_27] {strides = array<i32>} : memref<128xf32, #tpu.memory_space<vmem>>, vector<16xf32>,
    %swap3A_29 = vector.shape_cast %swap3A_28 : vector<16xf32> to vector<16xf32>
    %swap3A_30 = vector.shape_cast %broadcast_in_dim3A_26 : vector<16xf32> to vector<16xf32>
    tpu.vector_store %arg16[%swap3A_27], %swap3A_30 {strides = array<i32>} : memref<128xf32, #tpu.memory_space<vmem>>, vector<16xf32>,
    %broadcast_in_dim3A_31 = arith.constant 1.000000e+00 : f32
    %broadcast_in_dim3A_32 = vector.broadcast %broadcast_in_dim3A_31 : f32 to vector<16xf32>
    %swap3A_33 = arith.constant 80 : index
    %swap3A_34 = tpu.vector_load %arg16[%swap3A_33] {strides = array<i32>} : memref<128xf32, #tpu.memory_space<vmem>>, vector<16xf32>,
    %swap3A_35 = vector.shape_cast %swap3A_34 : vector<16xf32> to vector<16xf32>
    %swap3A_36 = vector.shape_cast %broadcast_in_dim3A_32 : vector<16xf32> to vector<16xf32>
    tpu.vector_store %arg16[%swap3A_33], %swap3A_36 {strides = array<i32>} : memref<128xf32, #tpu.memory_space<vmem>>, vector<16xf32>,
    %broadcast_in_dim3A_37 = arith.constant 1.000000e+00 : f32
    %broadcast_in_dim3A_38 = vector.broadcast %broadcast_in_dim3A_37 : f32 to vector<16xf32>
    %swap3A_39 = arith.constant 96 : index
    %swap3A_40 = tpu.vector_load %arg16[%swap3A_39] {strides = array<i32>} : memref<128xf32, #tpu.memory_space<vmem>>, vector<16xf32>,
    %swap3A_41 = vector.shape_cast %swap3A_40 : vector<16xf32> to vector<16xf32>
    %swap3A_42 = vector.shape_cast %broadcast_in_dim3A_38 : vector<16xf32> to vector<16xf32>
    tpu.vector_store %arg16[%swap3A_39], %swap3A_42 {strides = array<i32>} : memref<128xf32, #tpu.memory_space<vmem>>, vector<16xf32>,
    %broadcast_in_dim3A_43 = arith.constant 1.000000e+00 : f32
    %broadcast_in_dim3A_44 = vector.broadcast %broadcast_in_dim3A_43 : f32 to vector<16xf32>
    %swap3A_45 = arith.constant 112 : index
    %swap3A_46 = tpu.vector_load %arg16[%swap3A_45] {strides = array<i32>} : memref<128xf32, #tpu.memory_space<vmem>>, vector<16xf32>,
    %swap3A_47 = vector.shape_cast %swap3A_46 : vector<16xf32> to vector<16xf32>
    %swap3A_48 = vector.shape_cast %broadcast_in_dim3A_44 : vector<16xf32> to vector<16xf32>
    tpu.vector_store %arg16[%swap3A_45], %swap3A_48 {strides = array<i32>} : memref<128xf32, #tpu.memory_space<vmem>>, vector<16xf32>,
    %barrier3A = arith.constant 0 : index
    tpu.barrier barrier_id(%barrier3A)
    "tpu.region"() ({
      %run_scoped3A = tpu.sem_alloc : memref<!tpu.dma_semaphore, #tpu.memory_space<semaphore_mem>>
      %dma_start3A_117 = arith.constant 0 : i32
      %dma_start3A_118 = arith.constant 0 : i32
      %dma_start3A_119 = tpu.memref_slice %arg3[%add3A, %dma_start3A_117, %dma_start3A_118] : memref<32x80x128xi32, #tpu.memory_space<hbm>> -> memref<1x40x128xi32, #tpu.memory_space<hbm>>
      %dma_start3A_120 = tpu.memref_squeeze %dma_start3A_119 : memref<1x40x128xi32, #tpu.memory_space<hbm>> -> memref<40x128xi32, #tpu.memory_space<hbm>>
      %dma_start3A_121 = arith.constant 0 : i32
      %dma_start3A_122 = arith.constant 0 : i32
      %dma_start3A_123 = tpu.memref_slice %arg3[%add3A, %dma_start3A_121, %dma_start3A_122] : memref<32x80x128xi32, #tpu.memory_space<hbm>> -> memref<1x40x128xi32, #tpu.memory_space<hbm>>
      %dma_start3A_124 = tpu.memref_squeeze %dma_start3A_123 : memref<1x40x128xi32, #tpu.memory_space<hbm>> -> memref<40x128xi32, #tpu.memory_space<hbm>>
      tpu.enqueue_dma source(%dma_start3A_124 : memref<40x128xi32, #tpu.memory_space<hbm>>) target(%arg9 : memref<40x128xi32, #tpu.memory_space<vmem>>) target_semaphore(%run_scoped3A : memref<!tpu.dma_semaphore, #tpu.memory_space<semaphore_mem>>)
      %dma_wait3A_125 = arith.constant 0 : i32
      %dma_wait3A_126 = arith.constant 0 : i32
      %dma_wait3A_127 = tpu.memref_slice %arg3[%add3A, %dma_wait3A_125, %dma_wait3A_126] : memref<32x80x128xi32, #tpu.memory_space<hbm>> -> memref<1x40x128xi32, #tpu.memory_space<hbm>>
      %dma_wait3A_128 = tpu.memref_squeeze %dma_wait3A_127 : memref<1x40x128xi32, #tpu.memory_space<hbm>> -> memref<40x128xi32, #tpu.memory_space<hbm>>
      %dma_wait3A_129 = arith.constant 0 : i32
      %dma_wait3A_130 = arith.constant 0 : i32
      %dma_wait3A_131 = tpu.memref_slice %arg3[%add3A, %dma_wait3A_129, %dma_wait3A_130] : memref<32x80x128xi32, #tpu.memory_space<hbm>> -> memref<1x40x128xi32, #tpu.memory_space<hbm>>
      %dma_wait3A_132 = tpu.memref_squeeze %dma_wait3A_131 : memref<1x40x128xi32, #tpu.memory_space<hbm>> -> memref<40x128xi32, #tpu.memory_space<hbm>>
      tpu.wait_dma2 semaphore(%run_scoped3A : memref<!tpu.dma_semaphore, #tpu.memory_space<semaphore_mem>>) src(%dma_wait3A_132 : memref<40x128xi32, #tpu.memory_space<hbm>>) dst(%arg9 : memref<40x128xi32, #tpu.memory_space<vmem>>)
      tpu.yield
    }) : () -> ()
    "tpu.region"() ({
      %run_scoped3A = tpu.sem_alloc : memref<!tpu.dma_semaphore, #tpu.memory_space<semaphore_mem>>
      %dma_start3A_117 = arith.constant 0 : i32
      %dma_start3A_118 = arith.constant 0 : i32
      %dma_start3A_119 = tpu.memref_slice %arg4[%add3A, %dma_start3A_117, %dma_start3A_118] : memref<32x80x128xi32, #tpu.memory_space<hbm>> -> memref<1x40x128xi32, #tpu.memory_space<hbm>>
      %dma_start3A_120 = tpu.memref_squeeze %dma_start3A_119 : memref<1x40x128xi32, #tpu.memory_space<hbm>> -> memref<40x128xi32, #tpu.memory_space<hbm>>
      %dma_start3A_121 = arith.constant 0 : i32
      %dma_start3A_122 = arith.constant 0 : i32
      %dma_start3A_123 = tpu.memref_slice %arg4[%add3A, %dma_start3A_121, %dma_start3A_122] : memref<32x80x128xi32, #tpu.memory_space<hbm>> -> memref<1x40x128xi32, #tpu.memory_space<hbm>>
      %dma_start3A_124 = tpu.memref_squeeze %dma_start3A_123 : memref<1x40x128xi32, #tpu.memory_space<hbm>> -> memref<40x128xi32, #tpu.memory_space<hbm>>
      tpu.enqueue_dma source(%dma_start3A_124 : memref<40x128xi32, #tpu.memory_space<hbm>>) target(%arg10 : memref<40x128xi32, #tpu.memory_space<vmem>>) target_semaphore(%run_scoped3A : memref<!tpu.dma_semaphore, #tpu.memory_space<semaphore_mem>>)
      %dma_wait3A_125 = arith.constant 0 : i32
      %dma_wait3A_126 = arith.constant 0 : i32
      %dma_wait3A_127 = tpu.memref_slice %arg4[%add3A, %dma_wait3A_125, %dma_wait3A_126] : memref<32x80x128xi32, #tpu.memory_space<hbm>> -> memref<1x40x128xi32, #tpu.memory_space<hbm>>
      %dma_wait3A_128 = tpu.memref_squeeze %dma_wait3A_127 : memref<1x40x128xi32, #tpu.memory_space<hbm>> -> memref<40x128xi32, #tpu.memory_space<hbm>>
      %dma_wait3A_129 = arith.constant 0 : i32
      %dma_wait3A_130 = arith.constant 0 : i32
      %dma_wait3A_131 = tpu.memref_slice %arg4[%add3A, %dma_wait3A_129, %dma_wait3A_130] : memref<32x80x128xi32, #tpu.memory_space<hbm>> -> memref<1x40x128xi32, #tpu.memory_space<hbm>>
      %dma_wait3A_132 = tpu.memref_squeeze %dma_wait3A_131 : memref<1x40x128xi32, #tpu.memory_space<hbm>> -> memref<40x128xi32, #tpu.memory_space<hbm>>
      tpu.wait_dma2 semaphore(%run_scoped3A : memref<!tpu.dma_semaphore, #tpu.memory_space<semaphore_mem>>) src(%dma_wait3A_132 : memref<40x128xi32, #tpu.memory_space<hbm>>) dst(%arg10 : memref<40x128xi32, #tpu.memory_space<vmem>>)
      tpu.yield
    }) : () -> ()
    %dma_start3A = arith.constant 0 : i32
    %dma_start3A_49 = arith.constant 0 : i32
    %dma_start3A_50 = tpu.memref_slice %arg9[%dma_start3A, %dma_start3A_49] : memref<40x128xi32, #tpu.memory_space<vmem>> -> memref<1x128xi32, #tpu.memory_space<vmem>>
    %dma_start3A_51 = tpu.memref_squeeze %dma_start3A_50 : memref<1x128xi32, #tpu.memory_space<vmem>> -> memref<128xi32, #tpu.memory_space<vmem>>
    %dma_start3A_52 = arith.constant 0 : i32
    %dma_start3A_53 = arith.constant 0 : i32
    %dma_start3A_54 = tpu.memref_slice %arg2[%dma_start3A_52, %dma_start3A_53] : memref<10240x128xf32, #tpu.memory_space<hbm>> -> memref<10240x128xf32, #tpu.memory_space<hbm>>
    tpu.enqueue_indirect_dma source(%dma_start3A_54 : memref<10240x128xf32, #tpu.memory_space<hbm>>) target(%arg12 : memref<128x128xf32, #tpu.memory_space<vmem>>) offsets(%dma_start3A_51 : memref<128xi32, #tpu.memory_space<vmem>>) semaphore(%arg14 : memref<!tpu.dma_semaphore, #tpu.memory_space<semaphore_mem>>)
    %dma_start3A_55 = arith.constant 1 : i32
    %dma_start3A_56 = arith.constant 0 : i32
    %dma_start3A_57 = tpu.memref_slice %arg9[%dma_start3A_55, %dma_start3A_56] : memref<40x128xi32, #tpu.memory_space<vmem>> -> memref<1x128xi32, #tpu.memory_space<vmem>>
    %dma_start3A_58 = tpu.memref_squeeze %dma_start3A_57 : memref<1x128xi32, #tpu.memory_space<vmem>> -> memref<128xi32, #tpu.memory_space<vmem>>
    %dma_start3A_59 = arith.constant 0 : i32
    %dma_start3A_60 = arith.constant 0 : i32
    %dma_start3A_61 = tpu.memref_slice %arg2[%dma_start3A_59, %dma_start3A_60] : memref<10240x128xf32, #tpu.memory_space<hbm>> -> memref<10240x128xf32, #tpu.memory_space<hbm>>
    tpu.enqueue_indirect_dma source(%dma_start3A_61 : memref<10240x128xf32, #tpu.memory_space<hbm>>) target(%arg13 : memref<128x128xf32, #tpu.memory_space<vmem>>) offsets(%dma_start3A_58 : memref<128xi32, #tpu.memory_space<vmem>>) semaphore(%arg15 : memref<!tpu.dma_semaphore, #tpu.memory_space<semaphore_mem>>)
    %scan3A = arith.constant 0 : i32
    %scan3A_62 = arith.constant 0 : i32
    %scan3A_63 = arith.constant 20 : i32
    %scan3A_64 = arith.addi %scan3A_62, %scan3A_63 : i32
    %scan3A_65 = arith.constant 1 : i32
    scf.for %scan3A_117 = %scan3A_62 to %scan3A_64 step %scan3A_65  : i32 {
      %mul3A_118 = arith.constant 2 : i32
      %mul3A_119 = arith.muli %scan3A_117, %mul3A_118 : i32
      %add3A_120 = arith.constant 0 : i32
      %add3A_121 = arith.addi %mul3A_119, %add3A_120 : i32
      %dma_wait3A_122 = arith.constant 0 : i32
      %dma_wait3A_123 = tpu.memref_slice %arg9[%add3A_121, %dma_wait3A_122] : memref<40x128xi32, #tpu.memory_space<vmem>> -> memref<1x128xi32, #tpu.memory_space<vmem>>
      %dma_wait3A_124 = tpu.memref_squeeze %dma_wait3A_123 : memref<1x128xi32, #tpu.memory_space<vmem>> -> memref<128xi32, #tpu.memory_space<vmem>>
      %dma_wait3A_125 = arith.constant 0 : i32
      %dma_wait3A_126 = arith.constant 0 : i32
      %dma_wait3A_127 = tpu.memref_slice %arg2[%dma_wait3A_125, %dma_wait3A_126] : memref<10240x128xf32, #tpu.memory_space<hbm>> -> memref<10240x128xf32, #tpu.memory_space<hbm>>
      tpu.wait_indirect_dma semaphore(%arg14 : memref<!tpu.dma_semaphore, #tpu.memory_space<semaphore_mem>>) src(%dma_wait3A_127 : memref<10240x128xf32, #tpu.memory_space<hbm>>) dst(%arg12 : memref<128x128xf32, #tpu.memory_space<vmem>>)
      "tpu.region"() ({
        %run_scoped3A = tpu.sem_alloc : memref<!tpu.dma_semaphore, #tpu.memory_space<semaphore_mem>>
        %dma_start3A_157 = arith.constant 0 : i32
        %dma_start3A_158 = tpu.memref_slice %arg10[%add3A_121, %dma_start3A_157] : memref<40x128xi32, #tpu.memory_space<vmem>> -> memref<1x128xi32, #tpu.memory_space<vmem>>
        %dma_start3A_159 = tpu.memref_squeeze %dma_start3A_158 : memref<1x128xi32, #tpu.memory_space<vmem>> -> memref<128xi32, #tpu.memory_space<vmem>>
        %dma_start3A_160 = arith.constant 0 : i32
        %dma_start3A_161 = arith.constant 0 : i32
        %dma_start3A_162 = tpu.memref_slice %arg11[%dma_start3A_160, %dma_start3A_161] : memref<10240x128xf32, #tpu.memory_space<vmem_shared>> -> memref<10240x128xf32, #tpu.memory_space<vmem_shared>>
        tpu.enqueue_indirect_dma source(%arg12 : memref<128x128xf32, #tpu.memory_space<vmem>>) target(%dma_start3A_162 : memref<10240x128xf32, #tpu.memory_space<vmem_shared>>) offsets(%dma_start3A_159 : memref<128xi32, #tpu.memory_space<vmem>>) semaphore(%run_scoped3A : memref<!tpu.dma_semaphore, #tpu.memory_space<semaphore_mem>>) {add = true}
        %dma_wait3A_163 = arith.constant 0 : i32
        %dma_wait3A_164 = tpu.memref_slice %arg10[%add3A_121, %dma_wait3A_163] : memref<40x128xi32, #tpu.memory_space<vmem>> -> memref<1x128xi32, #tpu.memory_space<vmem>>
        %dma_wait3A_165 = tpu.memref_squeeze %dma_wait3A_164 : memref<1x128xi32, #tpu.memory_space<vmem>> -> memref<128xi32, #tpu.memory_space<vmem>>
        %dma_wait3A_166 = arith.constant 0 : i32
        %dma_wait3A_167 = arith.constant 0 : i32
        %dma_wait3A_168 = tpu.memref_slice %arg11[%dma_wait3A_166, %dma_wait3A_167] : memref<10240x128xf32, #tpu.memory_space<vmem_shared>> -> memref<10240x128xf32, #tpu.memory_space<vmem_shared>>
        tpu.wait_indirect_dma semaphore(%run_scoped3A : memref<!tpu.dma_semaphore, #tpu.memory_space<semaphore_mem>>) src(%arg12 : memref<128x128xf32, #tpu.memory_space<vmem>>) dst(%dma_wait3A_168 : memref<10240x128xf32, #tpu.memory_space<vmem_shared>>)
        tpu.yield
      }) : () -> ()
      "tpu.region"() ({
        %run_scoped3A = tpu.sem_alloc : memref<!tpu.dma_semaphore, #tpu.memory_space<semaphore_mem>>
        %dma_start3A_157 = arith.constant 0 : i32
        %dma_start3A_158 = tpu.memref_slice %arg10[%add3A_121, %dma_start3A_157] : memref<40x128xi32, #tpu.memory_space<vmem>> -> memref<1x128xi32, #tpu.memory_space<vmem>>
        %dma_start3A_159 = tpu.memref_squeeze %dma_start3A_158 : memref<1x128xi32, #tpu.memory_space<vmem>> -> memref<128xi32, #tpu.memory_space<vmem>>
        %dma_start3A_160 = arith.constant 0 : i32
        %dma_start3A_161 = tpu.memref_slice %arg17[%dma_start3A_160] : memref<10240xf32, #tpu.memory_space<vmem_shared>> -> memref<10240xf32, #tpu.memory_space<vmem_shared>>
        tpu.enqueue_indirect_dma source(%arg16 : memref<128xf32, #tpu.memory_space<vmem>>) target(%dma_start3A_161 : memref<10240xf32, #tpu.memory_space<vmem_shared>>) offsets(%dma_start3A_159 : memref<128xi32, #tpu.memory_space<vmem>>) semaphore(%run_scoped3A : memref<!tpu.dma_semaphore, #tpu.memory_space<semaphore_mem>>) {add = true}
        %dma_wait3A_162 = arith.constant 0 : i32
        %dma_wait3A_163 = tpu.memref_slice %arg10[%add3A_121, %dma_wait3A_162] : memref<40x128xi32, #tpu.memory_space<vmem>> -> memref<1x128xi32, #tpu.memory_space<vmem>>
        %dma_wait3A_164 = tpu.memref_squeeze %dma_wait3A_163 : memref<1x128xi32, #tpu.memory_space<vmem>> -> memref<128xi32, #tpu.memory_space<vmem>>
        %dma_wait3A_165 = arith.constant 0 : i32
        %dma_wait3A_166 = tpu.memref_slice %arg17[%dma_wait3A_165] : memref<10240xf32, #tpu.memory_space<vmem_shared>> -> memref<10240xf32, #tpu.memory_space<vmem_shared>>
        tpu.wait_indirect_dma semaphore(%run_scoped3A : memref<!tpu.dma_semaphore, #tpu.memory_space<semaphore_mem>>) src(%arg16 : memref<128xf32, #tpu.memory_space<vmem>>) dst(%dma_wait3A_166 : memref<10240xf32, #tpu.memory_space<vmem_shared>>)
        tpu.yield
      }) : () -> ()
      %add3A_128 = arith.constant 2 : i32
      %add3A_129 = arith.addi %add3A_121, %add3A_128 : i32
      %min3A = arith.constant 39 : i32
      %min3A_130 = arith.minsi %add3A_129, %min3A : i32
      %dma_start3A_131 = arith.constant 0 : i32
      %dma_start3A_132 = tpu.memref_slice %arg9[%min3A_130, %dma_start3A_131] : memref<40x128xi32, #tpu.memory_space<vmem>> -> memref<1x128xi32, #tpu.memory_space<vmem>>
      %dma_start3A_133 = tpu.memref_squeeze %dma_start3A_132 : memref<1x128xi32, #tpu.memory_space<vmem>> -> memref<128xi32, #tpu.memory_space<vmem>>
      %dma_start3A_134 = arith.constant 0 : i32
      %dma_start3A_135 = arith.constant 0 : i32
      %dma_start3A_136 = tpu.memref_slice %arg2[%dma_start3A_134, %dma_start3A_135] : memref<10240x128xf32, #tpu.memory_space<hbm>> -> memref<10240x128xf32, #tpu.memory_space<hbm>>
      tpu.enqueue_indirect_dma source(%dma_start3A_136 : memref<10240x128xf32, #tpu.memory_space<hbm>>) target(%arg12 : memref<128x128xf32, #tpu.memory_space<vmem>>) offsets(%dma_start3A_133 : memref<128xi32, #tpu.memory_space<vmem>>) semaphore(%arg14 : memref<!tpu.dma_semaphore, #tpu.memory_space<semaphore_mem>>)
      %mul3A_137 = arith.constant 2 : i32
      %mul3A_138 = arith.muli %scan3A_117, %mul3A_137 : i32
      %add3A_139 = arith.constant 1 : i32
      %add3A_140 = arith.addi %mul3A_138, %add3A_139 : i32
      %dma_wait3A_141 = arith.constant 0 : i32
      %dma_wait3A_142 = tpu.memref_slice %arg9[%add3A_140, %dma_wait3A_141] : memref<40x128xi32, #tpu.memory_space<vmem>> -> memref<1x128xi32, #tpu.memory_space<vmem>>
      %dma_wait3A_143 = tpu.memref_squeeze %dma_wait3A_142 : memref<1x128xi32, #tpu.memory_space<vmem>> -> memref<128xi32, #tpu.memory_space<vmem>>
      %dma_wait3A_144 = arith.constant 0 : i32
      %dma_wait3A_145 = arith.constant 0 : i32
      %dma_wait3A_146 = tpu.memref_slice %arg2[%dma_wait3A_144, %dma_wait3A_145] : memref<10240x128xf32, #tpu.memory_space<hbm>> -> memref<10240x128xf32, #tpu.memory_space<hbm>>
      tpu.wait_indirect_dma semaphore(%arg15 : memref<!tpu.dma_semaphore, #tpu.memory_space<semaphore_mem>>) src(%dma_wait3A_146 : memref<10240x128xf32, #tpu.memory_space<hbm>>) dst(%arg13 : memref<128x128xf32, #tpu.memory_space<vmem>>)
      "tpu.region"() ({
        %run_scoped3A = tpu.sem_alloc : memref<!tpu.dma_semaphore, #tpu.memory_space<semaphore_mem>>
        %dma_start3A_157 = arith.constant 0 : i32
        %dma_start3A_158 = tpu.memref_slice %arg10[%add3A_140, %dma_start3A_157] : memref<40x128xi32, #tpu.memory_space<vmem>> -> memref<1x128xi32, #tpu.memory_space<vmem>>
        %dma_start3A_159 = tpu.memref_squeeze %dma_start3A_158 : memref<1x128xi32, #tpu.memory_space<vmem>> -> memref<128xi32, #tpu.memory_space<vmem>>
        %dma_start3A_160 = arith.constant 0 : i32
        %dma_start3A_161 = arith.constant 0 : i32
        %dma_start3A_162 = tpu.memref_slice %arg11[%dma_start3A_160, %dma_start3A_161] : memref<10240x128xf32, #tpu.memory_space<vmem_shared>> -> memref<10240x128xf32, #tpu.memory_space<vmem_shared>>
        tpu.enqueue_indirect_dma source(%arg13 : memref<128x128xf32, #tpu.memory_space<vmem>>) target(%dma_start3A_162 : memref<10240x128xf32, #tpu.memory_space<vmem_shared>>) offsets(%dma_start3A_159 : memref<128xi32, #tpu.memory_space<vmem>>) semaphore(%run_scoped3A : memref<!tpu.dma_semaphore, #tpu.memory_space<semaphore_mem>>) {add = true}
        %dma_wait3A_163 = arith.constant 0 : i32
        %dma_wait3A_164 = tpu.memref_slice %arg10[%add3A_140, %dma_wait3A_163] : memref<40x128xi32, #tpu.memory_space<vmem>> -> memref<1x128xi32, #tpu.memory_space<vmem>>
        %dma_wait3A_165 = tpu.memref_squeeze %dma_wait3A_164 : memref<1x128xi32, #tpu.memory_space<vmem>> -> memref<128xi32, #tpu.memory_space<vmem>>
        %dma_wait3A_166 = arith.constant 0 : i32
        %dma_wait3A_167 = arith.constant 0 : i32
        %dma_wait3A_168 = tpu.memref_slice %arg11[%dma_wait3A_166, %dma_wait3A_167] : memref<10240x128xf32, #tpu.memory_space<vmem_shared>> -> memref<10240x128xf32, #tpu.memory_space<vmem_shared>>
        tpu.wait_indirect_dma semaphore(%run_scoped3A : memref<!tpu.dma_semaphore, #tpu.memory_space<semaphore_mem>>) src(%arg13 : memref<128x128xf32, #tpu.memory_space<vmem>>) dst(%dma_wait3A_168 : memref<10240x128xf32, #tpu.memory_space<vmem_shared>>)
        tpu.yield
      }) : () -> ()
      "tpu.region"() ({
        %run_scoped3A = tpu.sem_alloc : memref<!tpu.dma_semaphore, #tpu.memory_space<semaphore_mem>>
        %dma_start3A_157 = arith.constant 0 : i32
        %dma_start3A_158 = tpu.memref_slice %arg10[%add3A_140, %dma_start3A_157] : memref<40x128xi32, #tpu.memory_space<vmem>> -> memref<1x128xi32, #tpu.memory_space<vmem>>
        %dma_start3A_159 = tpu.memref_squeeze %dma_start3A_158 : memref<1x128xi32, #tpu.memory_space<vmem>> -> memref<128xi32, #tpu.memory_space<vmem>>
        %dma_start3A_160 = arith.constant 0 : i32
        %dma_start3A_161 = tpu.memref_slice %arg17[%dma_start3A_160] : memref<10240xf32, #tpu.memory_space<vmem_shared>> -> memref<10240xf32, #tpu.memory_space<vmem_shared>>
        tpu.enqueue_indirect_dma source(%arg16 : memref<128xf32, #tpu.memory_space<vmem>>) target(%dma_start3A_161 : memref<10240xf32, #tpu.memory_space<vmem_shared>>) offsets(%dma_start3A_159 : memref<128xi32, #tpu.memory_space<vmem>>) semaphore(%run_scoped3A : memref<!tpu.dma_semaphore, #tpu.memory_space<semaphore_mem>>) {add = true}
        %dma_wait3A_162 = arith.constant 0 : i32
        %dma_wait3A_163 = tpu.memref_slice %arg10[%add3A_140, %dma_wait3A_162] : memref<40x128xi32, #tpu.memory_space<vmem>> -> memref<1x128xi32, #tpu.memory_space<vmem>>
        %dma_wait3A_164 = tpu.memref_squeeze %dma_wait3A_163 : memref<1x128xi32, #tpu.memory_space<vmem>> -> memref<128xi32, #tpu.memory_space<vmem>>
        %dma_wait3A_165 = arith.constant 0 : i32
        %dma_wait3A_166 = tpu.memref_slice %arg17[%dma_wait3A_165] : memref<10240xf32, #tpu.memory_space<vmem_shared>> -> memref<10240xf32, #tpu.memory_space<vmem_shared>>
        tpu.wait_indirect_dma semaphore(%run_scoped3A : memref<!tpu.dma_semaphore, #tpu.memory_space<semaphore_mem>>) src(%arg16 : memref<128xf32, #tpu.memory_space<vmem>>) dst(%dma_wait3A_166 : memref<10240xf32, #tpu.memory_space<vmem_shared>>)
        tpu.yield
      }) : () -> ()
      %add3A_147 = arith.constant 2 : i32
      %add3A_148 = arith.addi %add3A_140, %add3A_147 : i32
      %min3A_149 = arith.constant 39 : i32
      %min3A_150 = arith.minsi %add3A_148, %min3A_149 : i32
      %dma_start3A_151 = arith.constant 0 : i32
      %dma_start3A_152 = tpu.memref_slice %arg9[%min3A_150, %dma_start3A_151] : memref<40x128xi32, #tpu.memory_space<vmem>> -> memref<1x128xi32, #tpu.memory_space<vmem>>
      %dma_start3A_153 = tpu.memref_squeeze %dma_start3A_152 : memref<1x128xi32, #tpu.memory_space<vmem>> -> memref<128xi32, #tpu.memory_space<vmem>>
      %dma_start3A_154 = arith.constant 0 : i32
      %dma_start3A_155 = arith.constant 0 : i32
      %dma_start3A_156 = tpu.memref_slice %arg2[%dma_start3A_154, %dma_start3A_155] : memref<10240x128xf32, #tpu.memory_space<hbm>> -> memref<10240x128xf32, #tpu.memory_space<hbm>>
      tpu.enqueue_indirect_dma source(%dma_start3A_156 : memref<10240x128xf32, #tpu.memory_space<hbm>>) target(%arg13 : memref<128x128xf32, #tpu.memory_space<vmem>>) offsets(%dma_start3A_153 : memref<128xi32, #tpu.memory_space<vmem>>) semaphore(%arg15 : memref<!tpu.dma_semaphore, #tpu.memory_space<semaphore_mem>>)
    }
    %scan3A_66 = arith.constant 20 : i32
    %dma_wait3A = arith.constant 39 : i32
    %dma_wait3A_67 = arith.constant 0 : i32
    %dma_wait3A_68 = tpu.memref_slice %arg9[%dma_wait3A, %dma_wait3A_67] : memref<40x128xi32, #tpu.memory_space<vmem>> -> memref<1x128xi32, #tpu.memory_space<vmem>>
    %dma_wait3A_69 = tpu.memref_squeeze %dma_wait3A_68 : memref<1x128xi32, #tpu.memory_space<vmem>> -> memref<128xi32, #tpu.memory_space<vmem>>
    %dma_wait3A_70 = arith.constant 0 : i32
    %dma_wait3A_71 = arith.constant 0 : i32
    %dma_wait3A_72 = tpu.memref_slice %arg2[%dma_wait3A_70, %dma_wait3A_71] : memref<10240x128xf32, #tpu.memory_space<hbm>> -> memref<10240x128xf32, #tpu.memory_space<hbm>>
    tpu.wait_indirect_dma semaphore(%arg14 : memref<!tpu.dma_semaphore, #tpu.memory_space<semaphore_mem>>) src(%dma_wait3A_72 : memref<10240x128xf32, #tpu.memory_space<hbm>>) dst(%arg12 : memref<128x128xf32, #tpu.memory_space<vmem>>)
    %dma_wait3A_73 = arith.constant 39 : i32
    %dma_wait3A_74 = arith.constant 0 : i32
    %dma_wait3A_75 = tpu.memref_slice %arg9[%dma_wait3A_73, %dma_wait3A_74] : memref<40x128xi32, #tpu.memory_space<vmem>> -> memref<1x128xi32, #tpu.memory_space<vmem>>
    %dma_wait3A_76 = tpu.memref_squeeze %dma_wait3A_75 : memref<1x128xi32, #tpu.memory_space<vmem>> -> memref<128xi32, #tpu.memory_space<vmem>>
    %dma_wait3A_77 = arith.constant 0 : i32
    %dma_wait3A_78 = arith.constant 0 : i32
    %dma_wait3A_79 = tpu.memref_slice %arg2[%dma_wait3A_77, %dma_wait3A_78] : memref<10240x128xf32, #tpu.memory_space<hbm>> -> memref<10240x128xf32, #tpu.memory_space<hbm>>
    tpu.wait_indirect_dma semaphore(%arg15 : memref<!tpu.dma_semaphore, #tpu.memory_space<semaphore_mem>>) src(%dma_wait3A_79 : memref<10240x128xf32, #tpu.memory_space<hbm>>) dst(%arg13 : memref<128x128xf32, #tpu.memory_space<vmem>>)
    "tpu.region"() ({
      %run_scoped3A = tpu.sem_alloc : memref<!tpu.dma_semaphore, #tpu.memory_space<semaphore_mem>>
      %dma_start3A_117 = arith.constant 40 : i32
      %dma_start3A_118 = arith.constant 0 : i32
      %dma_start3A_119 = tpu.memref_slice %arg3[%add3A, %dma_start3A_117, %dma_start3A_118] : memref<32x80x128xi32, #tpu.memory_space<hbm>> -> memref<1x40x128xi32, #tpu.memory_space<hbm>>
      %dma_start3A_120 = tpu.memref_squeeze %dma_start3A_119 : memref<1x40x128xi32, #tpu.memory_space<hbm>> -> memref<40x128xi32, #tpu.memory_space<hbm>>
      %dma_start3A_121 = arith.constant 40 : i32
      %dma_start3A_122 = arith.constant 0 : i32
      %dma_start3A_123 = tpu.memref_slice %arg3[%add3A, %dma_start3A_121, %dma_start3A_122] : memref<32x80x128xi32, #tpu.memory_space<hbm>> -> memref<1x40x128xi32, #tpu.memory_space<hbm>>
      %dma_start3A_124 = tpu.memref_squeeze %dma_start3A_123 : memref<1x40x128xi32, #tpu.memory_space<hbm>> -> memref<40x128xi32, #tpu.memory_space<hbm>>
      tpu.enqueue_dma source(%dma_start3A_124 : memref<40x128xi32, #tpu.memory_space<hbm>>) target(%arg9 : memref<40x128xi32, #tpu.memory_space<vmem>>) target_semaphore(%run_scoped3A : memref<!tpu.dma_semaphore, #tpu.memory_space<semaphore_mem>>)
      %dma_wait3A_125 = arith.constant 40 : i32
      %dma_wait3A_126 = arith.constant 0 : i32
      %dma_wait3A_127 = tpu.memref_slice %arg3[%add3A, %dma_wait3A_125, %dma_wait3A_126] : memref<32x80x128xi32, #tpu.memory_space<hbm>> -> memref<1x40x128xi32, #tpu.memory_space<hbm>>
      %dma_wait3A_128 = tpu.memref_squeeze %dma_wait3A_127 : memref<1x40x128xi32, #tpu.memory_space<hbm>> -> memref<40x128xi32, #tpu.memory_space<hbm>>
      %dma_wait3A_129 = arith.constant 40 : i32
      %dma_wait3A_130 = arith.constant 0 : i32
      %dma_wait3A_131 = tpu.memref_slice %arg3[%add3A, %dma_wait3A_129, %dma_wait3A_130] : memref<32x80x128xi32, #tpu.memory_space<hbm>> -> memref<1x40x128xi32, #tpu.memory_space<hbm>>
      %dma_wait3A_132 = tpu.memref_squeeze %dma_wait3A_131 : memref<1x40x128xi32, #tpu.memory_space<hbm>> -> memref<40x128xi32, #tpu.memory_space<hbm>>
      tpu.wait_dma2 semaphore(%run_scoped3A : memref<!tpu.dma_semaphore, #tpu.memory_space<semaphore_mem>>) src(%dma_wait3A_132 : memref<40x128xi32, #tpu.memory_space<hbm>>) dst(%arg9 : memref<40x128xi32, #tpu.memory_space<vmem>>)
      tpu.yield
    }) : () -> ()
    "tpu.region"() ({
      %run_scoped3A = tpu.sem_alloc : memref<!tpu.dma_semaphore, #tpu.memory_space<semaphore_mem>>
      %dma_start3A_117 = arith.constant 40 : i32
      %dma_start3A_118 = arith.constant 0 : i32
      %dma_start3A_119 = tpu.memref_slice %arg4[%add3A, %dma_start3A_117, %dma_start3A_118] : memref<32x80x128xi32, #tpu.memory_space<hbm>> -> memref<1x40x128xi32, #tpu.memory_space<hbm>>
      %dma_start3A_120 = tpu.memref_squeeze %dma_start3A_119 : memref<1x40x128xi32, #tpu.memory_space<hbm>> -> memref<40x128xi32, #tpu.memory_space<hbm>>
      %dma_start3A_121 = arith.constant 40 : i32
      %dma_start3A_122 = arith.constant 0 : i32
      %dma_start3A_123 = tpu.memref_slice %arg4[%add3A, %dma_start3A_121, %dma_start3A_122] : memref<32x80x128xi32, #tpu.memory_space<hbm>> -> memref<1x40x128xi32, #tpu.memory_space<hbm>>
      %dma_start3A_124 = tpu.memref_squeeze %dma_start3A_123 : memref<1x40x128xi32, #tpu.memory_space<hbm>> -> memref<40x128xi32, #tpu.memory_space<hbm>>
      tpu.enqueue_dma source(%dma_start3A_124 : memref<40x128xi32, #tpu.memory_space<hbm>>) target(%arg10 : memref<40x128xi32, #tpu.memory_space<vmem>>) target_semaphore(%run_scoped3A : memref<!tpu.dma_semaphore, #tpu.memory_space<semaphore_mem>>)
      %dma_wait3A_125 = arith.constant 40 : i32
      %dma_wait3A_126 = arith.constant 0 : i32
      %dma_wait3A_127 = tpu.memref_slice %arg4[%add3A, %dma_wait3A_125, %dma_wait3A_126] : memref<32x80x128xi32, #tpu.memory_space<hbm>> -> memref<1x40x128xi32, #tpu.memory_space<hbm>>
      %dma_wait3A_128 = tpu.memref_squeeze %dma_wait3A_127 : memref<1x40x128xi32, #tpu.memory_space<hbm>> -> memref<40x128xi32, #tpu.memory_space<hbm>>
      %dma_wait3A_129 = arith.constant 40 : i32
      %dma_wait3A_130 = arith.constant 0 : i32
      %dma_wait3A_131 = tpu.memref_slice %arg4[%add3A, %dma_wait3A_129, %dma_wait3A_130] : memref<32x80x128xi32, #tpu.memory_space<hbm>> -> memref<1x40x128xi32, #tpu.memory_space<hbm>>
      %dma_wait3A_132 = tpu.memref_squeeze %dma_wait3A_131 : memref<1x40x128xi32, #tpu.memory_space<hbm>> -> memref<40x128xi32, #tpu.memory_space<hbm>>
      tpu.wait_dma2 semaphore(%run_scoped3A : memref<!tpu.dma_semaphore, #tpu.memory_space<semaphore_mem>>) src(%dma_wait3A_132 : memref<40x128xi32, #tpu.memory_space<hbm>>) dst(%arg10 : memref<40x128xi32, #tpu.memory_space<vmem>>)
      tpu.yield
    }) : () -> ()
    %dma_start3A_80 = arith.constant 0 : i32
    %dma_start3A_81 = arith.constant 0 : i32
    %dma_start3A_82 = tpu.memref_slice %arg9[%dma_start3A_80, %dma_start3A_81] : memref<40x128xi32, #tpu.memory_space<vmem>> -> memref<1x128xi32, #tpu.memory_space<vmem>>
    %dma_start3A_83 = tpu.memref_squeeze %dma_start3A_82 : memref<1x128xi32, #tpu.memory_space<vmem>> -> memref<128xi32, #tpu.memory_space<vmem>>
    %dma_start3A_84 = arith.constant 0 : i32
    %dma_start3A_85 = arith.constant 0 : i32
    %dma_start3A_86 = tpu.memref_slice %arg2[%dma_start3A_84, %dma_start3A_85] : memref<10240x128xf32, #tpu.memory_space<hbm>> -> memref<10240x128xf32, #tpu.memory_space<hbm>>
    tpu.enqueue_indirect_dma source(%dma_start3A_86 : memref<10240x128xf32, #tpu.memory_space<hbm>>) target(%arg12 : memref<128x128xf32, #tpu.memory_space<vmem>>) offsets(%dma_start3A_83 : memref<128xi32, #tpu.memory_space<vmem>>) semaphore(%arg14 : memref<!tpu.dma_semaphore, #tpu.memory_space<semaphore_mem>>)
    %dma_start3A_87 = arith.constant 1 : i32
    %dma_start3A_88 = arith.constant 0 : i32
    %dma_start3A_89 = tpu.memref_slice %arg9[%dma_start3A_87, %dma_start3A_88] : memref<40x128xi32, #tpu.memory_space<vmem>> -> memref<1x128xi32, #tpu.memory_space<vmem>>
    %dma_start3A_90 = tpu.memref_squeeze %dma_start3A_89 : memref<1x128xi32, #tpu.memory_space<vmem>> -> memref<128xi32, #tpu.memory_space<vmem>>
    %dma_start3A_91 = arith.constant 0 : i32
    %dma_start3A_92 = arith.constant 0 : i32
    %dma_start3A_93 = tpu.memref_slice %arg2[%dma_start3A_91, %dma_start3A_92] : memref<10240x128xf32, #tpu.memory_space<hbm>> -> memref<10240x128xf32, #tpu.memory_space<hbm>>
    tpu.enqueue_indirect_dma source(%dma_start3A_93 : memref<10240x128xf32, #tpu.memory_space<hbm>>) target(%arg13 : memref<128x128xf32, #tpu.memory_space<vmem>>) offsets(%dma_start3A_90 : memref<128xi32, #tpu.memory_space<vmem>>) semaphore(%arg15 : memref<!tpu.dma_semaphore, #tpu.memory_space<semaphore_mem>>)
    %scan3A_94 = arith.constant 0 : i32
    %scan3A_95 = arith.constant 0 : i32
    %scan3A_96 = arith.constant 20 : i32
    %scan3A_97 = arith.addi %scan3A_95, %scan3A_96 : i32
    %scan3A_98 = arith.constant 1 : i32
    scf.for %scan3A_117 = %scan3A_95 to %scan3A_97 step %scan3A_98  : i32 {
      %mul3A_118 = arith.constant 2 : i32
      %mul3A_119 = arith.muli %scan3A_117, %mul3A_118 : i32
      %add3A_120 = arith.constant 0 : i32
      %add3A_121 = arith.addi %mul3A_119, %add3A_120 : i32
      %dma_wait3A_122 = arith.constant 0 : i32
      %dma_wait3A_123 = tpu.memref_slice %arg9[%add3A_121, %dma_wait3A_122] : memref<40x128xi32, #tpu.memory_space<vmem>> -> memref<1x128xi32, #tpu.memory_space<vmem>>
      %dma_wait3A_124 = tpu.memref_squeeze %dma_wait3A_123 : memref<1x128xi32, #tpu.memory_space<vmem>> -> memref<128xi32, #tpu.memory_space<vmem>>
      %dma_wait3A_125 = arith.constant 0 : i32
      %dma_wait3A_126 = arith.constant 0 : i32
      %dma_wait3A_127 = tpu.memref_slice %arg2[%dma_wait3A_125, %dma_wait3A_126] : memref<10240x128xf32, #tpu.memory_space<hbm>> -> memref<10240x128xf32, #tpu.memory_space<hbm>>
      tpu.wait_indirect_dma semaphore(%arg14 : memref<!tpu.dma_semaphore, #tpu.memory_space<semaphore_mem>>) src(%dma_wait3A_127 : memref<10240x128xf32, #tpu.memory_space<hbm>>) dst(%arg12 : memref<128x128xf32, #tpu.memory_space<vmem>>)
      "tpu.region"() ({
        %run_scoped3A = tpu.sem_alloc : memref<!tpu.dma_semaphore, #tpu.memory_space<semaphore_mem>>
        %dma_start3A_157 = arith.constant 0 : i32
        %dma_start3A_158 = tpu.memref_slice %arg10[%add3A_121, %dma_start3A_157] : memref<40x128xi32, #tpu.memory_space<vmem>> -> memref<1x128xi32, #tpu.memory_space<vmem>>
        %dma_start3A_159 = tpu.memref_squeeze %dma_start3A_158 : memref<1x128xi32, #tpu.memory_space<vmem>> -> memref<128xi32, #tpu.memory_space<vmem>>
        %dma_start3A_160 = arith.constant 0 : i32
        %dma_start3A_161 = arith.constant 0 : i32
        %dma_start3A_162 = tpu.memref_slice %arg11[%dma_start3A_160, %dma_start3A_161] : memref<10240x128xf32, #tpu.memory_space<vmem_shared>> -> memref<10240x128xf32, #tpu.memory_space<vmem_shared>>
        tpu.enqueue_indirect_dma source(%arg12 : memref<128x128xf32, #tpu.memory_space<vmem>>) target(%dma_start3A_162 : memref<10240x128xf32, #tpu.memory_space<vmem_shared>>) offsets(%dma_start3A_159 : memref<128xi32, #tpu.memory_space<vmem>>) semaphore(%run_scoped3A : memref<!tpu.dma_semaphore, #tpu.memory_space<semaphore_mem>>) {add = true}
        %dma_wait3A_163 = arith.constant 0 : i32
        %dma_wait3A_164 = tpu.memref_slice %arg10[%add3A_121, %dma_wait3A_163] : memref<40x128xi32, #tpu.memory_space<vmem>> -> memref<1x128xi32, #tpu.memory_space<vmem>>
        %dma_wait3A_165 = tpu.memref_squeeze %dma_wait3A_164 : memref<1x128xi32, #tpu.memory_space<vmem>> -> memref<128xi32, #tpu.memory_space<vmem>>
        %dma_wait3A_166 = arith.constant 0 : i32
        %dma_wait3A_167 = arith.constant 0 : i32
        %dma_wait3A_168 = tpu.memref_slice %arg11[%dma_wait3A_166, %dma_wait3A_167] : memref<10240x128xf32, #tpu.memory_space<vmem_shared>> -> memref<10240x128xf32, #tpu.memory_space<vmem_shared>>
        tpu.wait_indirect_dma semaphore(%run_scoped3A : memref<!tpu.dma_semaphore, #tpu.memory_space<semaphore_mem>>) src(%arg12 : memref<128x128xf32, #tpu.memory_space<vmem>>) dst(%dma_wait3A_168 : memref<10240x128xf32, #tpu.memory_space<vmem_shared>>)
        tpu.yield
      }) : () -> ()
      "tpu.region"() ({
        %run_scoped3A = tpu.sem_alloc : memref<!tpu.dma_semaphore, #tpu.memory_space<semaphore_mem>>
        %dma_start3A_157 = arith.constant 0 : i32
        %dma_start3A_158 = tpu.memref_slice %arg10[%add3A_121, %dma_start3A_157] : memref<40x128xi32, #tpu.memory_space<vmem>> -> memref<1x128xi32, #tpu.memory_space<vmem>>
        %dma_start3A_159 = tpu.memref_squeeze %dma_start3A_158 : memref<1x128xi32, #tpu.memory_space<vmem>> -> memref<128xi32, #tpu.memory_space<vmem>>
        %dma_start3A_160 = arith.constant 0 : i32
        %dma_start3A_161 = tpu.memref_slice %arg17[%dma_start3A_160] : memref<10240xf32, #tpu.memory_space<vmem_shared>> -> memref<10240xf32, #tpu.memory_space<vmem_shared>>
        tpu.enqueue_indirect_dma source(%arg16 : memref<128xf32, #tpu.memory_space<vmem>>) target(%dma_start3A_161 : memref<10240xf32, #tpu.memory_space<vmem_shared>>) offsets(%dma_start3A_159 : memref<128xi32, #tpu.memory_space<vmem>>) semaphore(%run_scoped3A : memref<!tpu.dma_semaphore, #tpu.memory_space<semaphore_mem>>) {add = true}
        %dma_wait3A_162 = arith.constant 0 : i32
        %dma_wait3A_163 = tpu.memref_slice %arg10[%add3A_121, %dma_wait3A_162] : memref<40x128xi32, #tpu.memory_space<vmem>> -> memref<1x128xi32, #tpu.memory_space<vmem>>
        %dma_wait3A_164 = tpu.memref_squeeze %dma_wait3A_163 : memref<1x128xi32, #tpu.memory_space<vmem>> -> memref<128xi32, #tpu.memory_space<vmem>>
        %dma_wait3A_165 = arith.constant 0 : i32
        %dma_wait3A_166 = tpu.memref_slice %arg17[%dma_wait3A_165] : memref<10240xf32, #tpu.memory_space<vmem_shared>> -> memref<10240xf32, #tpu.memory_space<vmem_shared>>
        tpu.wait_indirect_dma semaphore(%run_scoped3A : memref<!tpu.dma_semaphore, #tpu.memory_space<semaphore_mem>>) src(%arg16 : memref<128xf32, #tpu.memory_space<vmem>>) dst(%dma_wait3A_166 : memref<10240xf32, #tpu.memory_space<vmem_shared>>)
        tpu.yield
      }) : () -> ()
      %add3A_128 = arith.constant 2 : i32
      %add3A_129 = arith.addi %add3A_121, %add3A_128 : i32
      %min3A = arith.constant 39 : i32
      %min3A_130 = arith.minsi %add3A_129, %min3A : i32
      %dma_start3A_131 = arith.constant 0 : i32
      %dma_start3A_132 = tpu.memref_slice %arg9[%min3A_130, %dma_start3A_131] : memref<40x128xi32, #tpu.memory_space<vmem>> -> memref<1x128xi32, #tpu.memory_space<vmem>>
      %dma_start3A_133 = tpu.memref_squeeze %dma_start3A_132 : memref<1x128xi32, #tpu.memory_space<vmem>> -> memref<128xi32, #tpu.memory_space<vmem>>
      %dma_start3A_134 = arith.constant 0 : i32
      %dma_start3A_135 = arith.constant 0 : i32
      %dma_start3A_136 = tpu.memref_slice %arg2[%dma_start3A_134, %dma_start3A_135] : memref<10240x128xf32, #tpu.memory_space<hbm>> -> memref<10240x128xf32, #tpu.memory_space<hbm>>
      tpu.enqueue_indirect_dma source(%dma_start3A_136 : memref<10240x128xf32, #tpu.memory_space<hbm>>) target(%arg12 : memref<128x128xf32, #tpu.memory_space<vmem>>) offsets(%dma_start3A_133 : memref<128xi32, #tpu.memory_space<vmem>>) semaphore(%arg14 : memref<!tpu.dma_semaphore, #tpu.memory_space<semaphore_mem>>)
      %mul3A_137 = arith.constant 2 : i32
      %mul3A_138 = arith.muli %scan3A_117, %mul3A_137 : i32
      %add3A_139 = arith.constant 1 : i32
      %add3A_140 = arith.addi %mul3A_138, %add3A_139 : i32
      %dma_wait3A_141 = arith.constant 0 : i32
      %dma_wait3A_142 = tpu.memref_slice %arg9[%add3A_140, %dma_wait3A_141] : memref<40x128xi32, #tpu.memory_space<vmem>> -> memref<1x128xi32, #tpu.memory_space<vmem>>
      %dma_wait3A_143 = tpu.memref_squeeze %dma_wait3A_142 : memref<1x128xi32, #tpu.memory_space<vmem>> -> memref<128xi32, #tpu.memory_space<vmem>>
      %dma_wait3A_144 = arith.constant 0 : i32
      %dma_wait3A_145 = arith.constant 0 : i32
      %dma_wait3A_146 = tpu.memref_slice %arg2[%dma_wait3A_144, %dma_wait3A_145] : memref<10240x128xf32, #tpu.memory_space<hbm>> -> memref<10240x128xf32, #tpu.memory_space<hbm>>
      tpu.wait_indirect_dma semaphore(%arg15 : memref<!tpu.dma_semaphore, #tpu.memory_space<semaphore_mem>>) src(%dma_wait3A_146 : memref<10240x128xf32, #tpu.memory_space<hbm>>) dst(%arg13 : memref<128x128xf32, #tpu.memory_space<vmem>>)
      "tpu.region"() ({
        %run_scoped3A = tpu.sem_alloc : memref<!tpu.dma_semaphore, #tpu.memory_space<semaphore_mem>>
        %dma_start3A_157 = arith.constant 0 : i32
        %dma_start3A_158 = tpu.memref_slice %arg10[%add3A_140, %dma_start3A_157] : memref<40x128xi32, #tpu.memory_space<vmem>> -> memref<1x128xi32, #tpu.memory_space<vmem>>
        %dma_start3A_159 = tpu.memref_squeeze %dma_start3A_158 : memref<1x128xi32, #tpu.memory_space<vmem>> -> memref<128xi32, #tpu.memory_space<vmem>>
        %dma_start3A_160 = arith.constant 0 : i32
        %dma_start3A_161 = arith.constant 0 : i32
        %dma_start3A_162 = tpu.memref_slice %arg11[%dma_start3A_160, %dma_start3A_161] : memref<10240x128xf32, #tpu.memory_space<vmem_shared>> -> memref<10240x128xf32, #tpu.memory_space<vmem_shared>>
        tpu.enqueue_indirect_dma source(%arg13 : memref<128x128xf32, #tpu.memory_space<vmem>>) target(%dma_start3A_162 : memref<10240x128xf32, #tpu.memory_space<vmem_shared>>) offsets(%dma_start3A_159 : memref<128xi32, #tpu.memory_space<vmem>>) semaphore(%run_scoped3A : memref<!tpu.dma_semaphore, #tpu.memory_space<semaphore_mem>>) {add = true}
        %dma_wait3A_163 = arith.constant 0 : i32
        %dma_wait3A_164 = tpu.memref_slice %arg10[%add3A_140, %dma_wait3A_163] : memref<40x128xi32, #tpu.memory_space<vmem>> -> memref<1x128xi32, #tpu.memory_space<vmem>>
        %dma_wait3A_165 = tpu.memref_squeeze %dma_wait3A_164 : memref<1x128xi32, #tpu.memory_space<vmem>> -> memref<128xi32, #tpu.memory_space<vmem>>
        %dma_wait3A_166 = arith.constant 0 : i32
        %dma_wait3A_167 = arith.constant 0 : i32
        %dma_wait3A_168 = tpu.memref_slice %arg11[%dma_wait3A_166, %dma_wait3A_167] : memref<10240x128xf32, #tpu.memory_space<vmem_shared>> -> memref<10240x128xf32, #tpu.memory_space<vmem_shared>>
        tpu.wait_indirect_dma semaphore(%run_scoped3A : memref<!tpu.dma_semaphore, #tpu.memory_space<semaphore_mem>>) src(%arg13 : memref<128x128xf32, #tpu.memory_space<vmem>>) dst(%dma_wait3A_168 : memref<10240x128xf32, #tpu.memory_space<vmem_shared>>)
        tpu.yield
      }) : () -> ()
      "tpu.region"() ({
        %run_scoped3A = tpu.sem_alloc : memref<!tpu.dma_semaphore, #tpu.memory_space<semaphore_mem>>
        %dma_start3A_157 = arith.constant 0 : i32
        %dma_start3A_158 = tpu.memref_slice %arg10[%add3A_140, %dma_start3A_157] : memref<40x128xi32, #tpu.memory_space<vmem>> -> memref<1x128xi32, #tpu.memory_space<vmem>>
        %dma_start3A_159 = tpu.memref_squeeze %dma_start3A_158 : memref<1x128xi32, #tpu.memory_space<vmem>> -> memref<128xi32, #tpu.memory_space<vmem>>
        %dma_start3A_160 = arith.constant 0 : i32
        %dma_start3A_161 = tpu.memref_slice %arg17[%dma_start3A_160] : memref<10240xf32, #tpu.memory_space<vmem_shared>> -> memref<10240xf32, #tpu.memory_space<vmem_shared>>
        tpu.enqueue_indirect_dma source(%arg16 : memref<128xf32, #tpu.memory_space<vmem>>) target(%dma_start3A_161 : memref<10240xf32, #tpu.memory_space<vmem_shared>>) offsets(%dma_start3A_159 : memref<128xi32, #tpu.memory_space<vmem>>) semaphore(%run_scoped3A : memref<!tpu.dma_semaphore, #tpu.memory_space<semaphore_mem>>) {add = true}
        %dma_wait3A_162 = arith.constant 0 : i32
        %dma_wait3A_163 = tpu.memref_slice %arg10[%add3A_140, %dma_wait3A_162] : memref<40x128xi32, #tpu.memory_space<vmem>> -> memref<1x128xi32, #tpu.memory_space<vmem>>
        %dma_wait3A_164 = tpu.memref_squeeze %dma_wait3A_163 : memref<1x128xi32, #tpu.memory_space<vmem>> -> memref<128xi32, #tpu.memory_space<vmem>>
        %dma_wait3A_165 = arith.constant 0 : i32
        %dma_wait3A_166 = tpu.memref_slice %arg17[%dma_wait3A_165] : memref<10240xf32, #tpu.memory_space<vmem_shared>> -> memref<10240xf32, #tpu.memory_space<vmem_shared>>
        tpu.wait_indirect_dma semaphore(%run_scoped3A : memref<!tpu.dma_semaphore, #tpu.memory_space<semaphore_mem>>) src(%arg16 : memref<128xf32, #tpu.memory_space<vmem>>) dst(%dma_wait3A_166 : memref<10240xf32, #tpu.memory_space<vmem_shared>>)
        tpu.yield
      }) : () -> ()
      %add3A_147 = arith.constant 2 : i32
      %add3A_148 = arith.addi %add3A_140, %add3A_147 : i32
      %min3A_149 = arith.constant 39 : i32
      %min3A_150 = arith.minsi %add3A_148, %min3A_149 : i32
      %dma_start3A_151 = arith.constant 0 : i32
      %dma_start3A_152 = tpu.memref_slice %arg9[%min3A_150, %dma_start3A_151] : memref<40x128xi32, #tpu.memory_space<vmem>> -> memref<1x128xi32, #tpu.memory_space<vmem>>
      %dma_start3A_153 = tpu.memref_squeeze %dma_start3A_152 : memref<1x128xi32, #tpu.memory_space<vmem>> -> memref<128xi32, #tpu.memory_space<vmem>>
      %dma_start3A_154 = arith.constant 0 : i32
      %dma_start3A_155 = arith.constant 0 : i32
      %dma_start3A_156 = tpu.memref_slice %arg2[%dma_start3A_154, %dma_start3A_155] : memref<10240x128xf32, #tpu.memory_space<hbm>> -> memref<10240x128xf32, #tpu.memory_space<hbm>>
      tpu.enqueue_indirect_dma source(%dma_start3A_156 : memref<10240x128xf32, #tpu.memory_space<hbm>>) target(%arg13 : memref<128x128xf32, #tpu.memory_space<vmem>>) offsets(%dma_start3A_153 : memref<128xi32, #tpu.memory_space<vmem>>) semaphore(%arg15 : memref<!tpu.dma_semaphore, #tpu.memory_space<semaphore_mem>>)
    }
    %scan3A_99 = arith.constant 20 : i32
    %dma_wait3A_100 = arith.constant 39 : i32
    %dma_wait3A_101 = arith.constant 0 : i32
    %dma_wait3A_102 = tpu.memref_slice %arg9[%dma_wait3A_100, %dma_wait3A_101] : memref<40x128xi32, #tpu.memory_space<vmem>> -> memref<1x128xi32, #tpu.memory_space<vmem>>
    %dma_wait3A_103 = tpu.memref_squeeze %dma_wait3A_102 : memref<1x128xi32, #tpu.memory_space<vmem>> -> memref<128xi32, #tpu.memory_space<vmem>>
    %dma_wait3A_104 = arith.constant 0 : i32
    %dma_wait3A_105 = arith.constant 0 : i32
    %dma_wait3A_106 = tpu.memref_slice %arg2[%dma_wait3A_104, %dma_wait3A_105] : memref<10240x128xf32, #tpu.memory_space<hbm>> -> memref<10240x128xf32, #tpu.memory_space<hbm>>
    tpu.wait_indirect_dma semaphore(%arg14 : memref<!tpu.dma_semaphore, #tpu.memory_space<semaphore_mem>>) src(%dma_wait3A_106 : memref<10240x128xf32, #tpu.memory_space<hbm>>) dst(%arg12 : memref<128x128xf32, #tpu.memory_space<vmem>>)
    %dma_wait3A_107 = arith.constant 39 : i32
    %dma_wait3A_108 = arith.constant 0 : i32
    %dma_wait3A_109 = tpu.memref_slice %arg9[%dma_wait3A_107, %dma_wait3A_108] : memref<40x128xi32, #tpu.memory_space<vmem>> -> memref<1x128xi32, #tpu.memory_space<vmem>>
    %dma_wait3A_110 = tpu.memref_squeeze %dma_wait3A_109 : memref<1x128xi32, #tpu.memory_space<vmem>> -> memref<128xi32, #tpu.memory_space<vmem>>
    %dma_wait3A_111 = arith.constant 0 : i32
    %dma_wait3A_112 = arith.constant 0 : i32
    %dma_wait3A_113 = tpu.memref_slice %arg2[%dma_wait3A_111, %dma_wait3A_112] : memref<10240x128xf32, #tpu.memory_space<hbm>> -> memref<10240x128xf32, #tpu.memory_space<hbm>>
    tpu.wait_indirect_dma semaphore(%arg15 : memref<!tpu.dma_semaphore, #tpu.memory_space<semaphore_mem>>) src(%dma_wait3A_113 : memref<10240x128xf32, #tpu.memory_space<hbm>>) dst(%arg13 : memref<128x128xf32, #tpu.memory_space<vmem>>)
    %barrier3A_114 = arith.constant 0 : index
    tpu.barrier barrier_id(%barrier3A_114)
    "tpu.region"() ({
      %run_scoped3A = tpu.sem_alloc : memref<!tpu.dma_semaphore, #tpu.memory_space<semaphore_mem>>
      %dma_start3A_117 = arith.constant 0 : i32
      %dma_start3A_118 = tpu.memref_slice %arg7[%arg0, %mul3A_2, %dma_start3A_117] : memref<2x10240x128xf32, #tpu.memory_space<hbm>> -> memref<1x640x128xf32, #tpu.memory_space<hbm>>
      %dma_start3A_119 = tpu.memref_squeeze %dma_start3A_118 : memref<1x640x128xf32, #tpu.memory_space<hbm>> -> memref<640x128xf32, #tpu.memory_space<hbm>>
      %dma_start3A_120 = arith.constant 0 : i32
      %dma_start3A_121 = tpu.memref_slice %arg11[%mul3A_2, %dma_start3A_120] : memref<10240x128xf32, #tpu.memory_space<vmem_shared>> -> memref<640x128xf32, #tpu.memory_space<vmem_shared>>
      tpu.enqueue_dma source(%dma_start3A_121 : memref<640x128xf32, #tpu.memory_space<vmem_shared>>) target(%dma_start3A_119 : memref<640x128xf32, #tpu.memory_space<hbm>>) target_semaphore(%run_scoped3A : memref<!tpu.dma_semaphore, #tpu.memory_space<semaphore_mem>>)
      %dma_wait3A_122 = arith.constant 0 : i32
      %dma_wait3A_123 = tpu.memref_slice %arg7[%arg0, %mul3A_2, %dma_wait3A_122] : memref<2x10240x128xf32, #tpu.memory_space<hbm>> -> memref<1x640x128xf32, #tpu.memory_space<hbm>>
      %dma_wait3A_124 = tpu.memref_squeeze %dma_wait3A_123 : memref<1x640x128xf32, #tpu.memory_space<hbm>> -> memref<640x128xf32, #tpu.memory_space<hbm>>
      %dma_wait3A_125 = arith.constant 0 : i32
      %dma_wait3A_126 = tpu.memref_slice %arg11[%mul3A_2, %dma_wait3A_125] : memref<10240x128xf32, #tpu.memory_space<vmem_shared>> -> memref<640x128xf32, #tpu.memory_space<vmem_shared>>
      tpu.wait_dma2 semaphore(%run_scoped3A : memref<!tpu.dma_semaphore, #tpu.memory_space<semaphore_mem>>) src(%dma_wait3A_126 : memref<640x128xf32, #tpu.memory_space<vmem_shared>>) dst(%dma_wait3A_124 : memref<640x128xf32, #tpu.memory_space<hbm>>)
      tpu.yield
    }) : () -> ()
    %eq3A = arith.constant 0 : i32
    %eq3A_115 = arith.cmpi eq, %arg1, %eq3A : i32
    %convert_element_type3A = arith.extui %eq3A_115 : i1 to i32
    %cond3A = arith.constant 0 : i32
    %cond3A_116 = arith.cmpi ne, %convert_element_type3A, %cond3A : i32
    scf.if %cond3A_116 {
      "tpu.region"() ({
        %run_scoped3A = tpu.sem_alloc : memref<!tpu.dma_semaphore, #tpu.memory_space<semaphore_mem>>
        %dma_start3A_117 = arith.constant 0 : i32
        %dma_start3A_118 = tpu.memref_slice %arg8[%arg0, %dma_start3A_117] : memref<2x10240xf32, #tpu.memory_space<hbm>> -> memref<1x10240xf32, #tpu.memory_space<hbm>>
        %dma_start3A_119 = tpu.memref_squeeze %dma_start3A_118 : memref<1x10240xf32, #tpu.memory_space<hbm>> -> memref<10240xf32, #tpu.memory_space<hbm>>
        tpu.enqueue_dma source(%arg17 : memref<10240xf32, #tpu.memory_space<vmem_shared>>) target(%dma_start3A_119 : memref<10240xf32, #tpu.memory_space<hbm>>) target_semaphore(%run_scoped3A : memref<!tpu.dma_semaphore, #tpu.memory_space<semaphore_mem>>)
        %dma_wait3A_120 = arith.constant 0 : i32
        %dma_wait3A_121 = tpu.memref_slice %arg8[%arg0, %dma_wait3A_120] : memref<2x10240xf32, #tpu.memory_space<hbm>> -> memref<1x10240xf32, #tpu.memory_space<hbm>>
        %dma_wait3A_122 = tpu.memref_squeeze %dma_wait3A_121 : memref<1x10240xf32, #tpu.memory_space<hbm>> -> memref<10240xf32, #tpu.memory_space<hbm>>
        tpu.wait_dma2 semaphore(%run_scoped3A : memref<!tpu.dma_semaphore, #tpu.memory_space<semaphore_mem>>) src(%arg17 : memref<10240xf32, #tpu.memory_space<vmem_shared>>) dst(%dma_wait3A_122 : memref<10240xf32, #tpu.memory_space<hbm>>)
        tpu.yield
      }) : () -> ()
    } else {
    }
    return
  }
}

module attributes {stable_mosaic.version = 14 : i64} {
  func.func @body(%arg0: i32, %arg1: memref<1024x128xf32, #tpu.memory_space<vmem>>, %arg2: memref<2x1024x128xf32, #tpu.memory_space<vmem>>, %arg3: memref<2x1024x1xf32, #tpu.memory_space<vmem>>, %arg4: memref<128x128xf32, #tpu.memory_space<vmem>>, %arg5: memref<128x128xf32, #tpu.memory_space<vmem>>, %arg6: memref<1x128xf32, #tpu.memory_space<vmem>>, %arg7: memref<1024x128xf32, #tpu.memory_space<vmem>>) attributes {dimension_semantics = [#tpu.dimension_semantics<arbitrary>], iteration_bounds = array<i64: 10>, scalar_prefetch = 0 : i64, scratch_operands = 0 : i64, tpu.core_type = #tpu.core_type<tc>, window_params = [{transform_indices = @transform_0, window_bounds = array<i64: 1024, 128>}, {transform_indices = @transform_1, window_bounds = array<i64: 2, 1024, 128>}, {transform_indices = @transform_2, window_bounds = array<i64: 2, 1024, 1>}, {pipeline_mode = #tpu.pipeline_mode<synchronous>, transform_indices = @transform_3, window_bounds = array<i64: 128, 128>}, {pipeline_mode = #tpu.pipeline_mode<synchronous>, transform_indices = @transform_4, window_bounds = array<i64: 128, 128>}, {pipeline_mode = #tpu.pipeline_mode<synchronous>, transform_indices = @transform_5, window_bounds = array<i64: 1, 128>}, {transform_indices = @transform_6, window_bounds = array<i64: 1024, 128>}]} {
    %get3A = arith.constant 0 : index
    %get3A_0 = arith.constant 0 : index
    %get3A_1 = arith.constant 0 : index
    %get3A_2 = vector.load %arg3[%get3A, %get3A_0, %get3A_1] : memref<2x1024x1xf32, #tpu.memory_space<vmem>>, vector<1x1024x1xf32>
    %get3A_3 = vector.shape_cast %get3A_2 : vector<1x1024x1xf32> to vector<1024x1xf32>
    %get3A_4 = arith.constant 1 : index
    %get3A_5 = arith.constant 0 : index
    %get3A_6 = arith.constant 0 : index
    %get3A_7 = vector.load %arg3[%get3A_4, %get3A_5, %get3A_6] : memref<2x1024x1xf32, #tpu.memory_space<vmem>>, vector<1x1024x1xf32>
    %get3A_8 = vector.shape_cast %get3A_7 : vector<1x1024x1xf32> to vector<1024x1xf32>
    %add3A = arith.addf %get3A_3, %get3A_8 : vector<1024x1xf32>
    %max3A = arith.constant 1.000000e+00 : f32
    %max3A_9 = vector.broadcast %max3A : f32 to vector<1024x1xf32>
    %max3A_10 = arith.maximumf %add3A, %max3A_9 : vector<1024x1xf32>
    %div3A = arith.constant 1.000000e+00 : f32
    %div3A_11 = vector.broadcast %div3A : f32 to vector<1024x1xf32>
    %div3A_12 = arith.divf %div3A_11, %max3A_10 : vector<1024x1xf32>
    %get3A_13 = arith.constant 0 : index
    %get3A_14 = arith.constant 0 : index
    %get3A_15 = arith.constant 0 : index
    %get3A_16 = vector.load %arg2[%get3A_13, %get3A_14, %get3A_15] : memref<2x1024x128xf32, #tpu.memory_space<vmem>>, vector<1x1024x128xf32>
    %get3A_17 = vector.shape_cast %get3A_16 : vector<1x1024x128xf32> to vector<1024x128xf32>
    %get3A_18 = arith.constant 1 : index
    %get3A_19 = arith.constant 0 : index
    %get3A_20 = arith.constant 0 : index
    %get3A_21 = vector.load %arg2[%get3A_18, %get3A_19, %get3A_20] : memref<2x1024x128xf32, #tpu.memory_space<vmem>>, vector<1x1024x128xf32>
    %get3A_22 = vector.shape_cast %get3A_21 : vector<1x1024x128xf32> to vector<1024x128xf32>
    %add3A_23 = arith.addf %get3A_17, %get3A_22 : vector<1024x128xf32>
    %mul3A = vector.broadcast %div3A_12 : vector<1024x1xf32> to vector<1024x128xf32>
    %mul3A_24 = arith.mulf %add3A_23, %mul3A : vector<1024x128xf32>
    %get3A_25 = arith.constant 0 : index
    %get3A_26 = arith.constant 0 : index
    %get3A_27 = vector.load %arg1[%get3A_25, %get3A_26] : memref<1024x128xf32, #tpu.memory_space<vmem>>, vector<1024x128xf32>
    %get3A_28 = arith.constant 0 : index
    %get3A_29 = arith.constant 0 : index
    %get3A_30 = vector.load %arg4[%get3A_28, %get3A_29] : memref<128x128xf32, #tpu.memory_space<vmem>>, vector<128x128xf32>
    %dot_general3A = arith.constant dense<0.000000e+00> : vector<1024x128xf32>
    %dot_general3A_31 = tpu.matmul %get3A_27, %get3A_30, %dot_general3A {dimension_numbers = #tpu.dot_dimension_numbers<[1], [0], [0], [1], [0, 0, 1, 1], [], []>, transpose_lhs_hint = false} : vector<1024x128xf32>, vector<128x128xf32>, vector<1024x128xf32> -> vector<1024x128xf32>
    %get3A_32 = arith.constant 0 : index
    %get3A_33 = arith.constant 0 : index
    %get3A_34 = vector.load %arg5[%get3A_32, %get3A_33] : memref<128x128xf32, #tpu.memory_space<vmem>>, vector<128x128xf32>
    %dot_general3A_35 = arith.constant dense<0.000000e+00> : vector<1024x128xf32>
    %dot_general3A_36 = tpu.matmul %mul3A_24, %get3A_34, %dot_general3A_35 {dimension_numbers = #tpu.dot_dimension_numbers<[1], [0], [0], [1], [0, 0, 1, 1], [], []>, transpose_lhs_hint = false} : vector<1024x128xf32>, vector<128x128xf32>, vector<1024x128xf32> -> vector<1024x128xf32>
    %add3A_37 = arith.addf %dot_general3A_31, %dot_general3A_36 : vector<1024x128xf32>
    %get3A_38 = arith.constant 0 : index
    %get3A_39 = arith.constant 0 : index
    %get3A_40 = vector.load %arg6[%get3A_38, %get3A_39] : memref<1x128xf32, #tpu.memory_space<vmem>>, vector<1x128xf32>
    %add3A_41 = vector.broadcast %get3A_40 : vector<1x128xf32> to vector<1024x128xf32>
    %add3A_42 = arith.addf %add3A_37, %add3A_41 : vector<1024x128xf32>
    %max3A_43 = arith.constant 0.000000e+00 : f32
    %max3A_44 = vector.broadcast %max3A_43 : f32 to vector<1024x128xf32>
    %max3A_45 = arith.maximumf %add3A_42, %max3A_44 : vector<1024x128xf32>
    %swap3A = arith.constant 0 : index
    %swap3A_46 = arith.constant 0 : index
    %swap3A_47 = vector.load %arg7[%swap3A, %swap3A_46] : memref<1024x128xf32, #tpu.memory_space<vmem>>, vector<1024x128xf32>
    tpu.vector_store %arg7[%swap3A, %swap3A_46], %max3A_45 {strides = array<i32>} : memref<1024x128xf32, #tpu.memory_space<vmem>>, vector<1024x128xf32>,
    return
  }
  func.func @transform_0(%arg0: i32) -> (i32, i32) {
    %c0_i32 = arith.constant 0 : i32
    %c0_i32_0 = arith.constant 0 : i32
    return %arg0, %c0_i32 : i32, i32
  }
  func.func @transform_1(%arg0: i32) -> (i32, i32, i32) {
    %c0_i32 = arith.constant 0 : i32
    %c0_i32_0 = arith.constant 0 : i32
    %c0_i32_1 = arith.constant 0 : i32
    return %c0_i32, %arg0, %c0_i32_0 : i32, i32, i32
  }
  func.func @transform_2(%arg0: i32) -> (i32, i32, i32) {
    %c0_i32 = arith.constant 0 : i32
    %c0_i32_0 = arith.constant 0 : i32
    %c0_i32_1 = arith.constant 0 : i32
    return %c0_i32, %arg0, %c0_i32_0 : i32, i32, i32
  }
  func.func @transform_3(%arg0: i32) -> (i32, i32) {
    %c0_i32 = arith.constant 0 : i32
    %c0_i32_0 = arith.constant 0 : i32
    %c0_i32_1 = arith.constant 0 : i32
    return %c0_i32, %c0_i32_0 : i32, i32
  }
  func.func @transform_4(%arg0: i32) -> (i32, i32) {
    %c0_i32 = arith.constant 0 : i32
    %c0_i32_0 = arith.constant 0 : i32
    %c0_i32_1 = arith.constant 0 : i32
    return %c0_i32, %c0_i32_0 : i32, i32
  }
  func.func @transform_5(%arg0: i32) -> (i32, i32) {
    %c0_i32 = arith.constant 0 : i32
    %c0_i32_0 = arith.constant 0 : i32
    %c0_i32_1 = arith.constant 0 : i32
    return %c0_i32, %c0_i32_0 : i32, i32
  }
  func.func @transform_6(%arg0: i32) -> (i32, i32) {
    %c0_i32 = arith.constant 0 : i32
    %c0_i32_0 = arith.constant 0 : i32
    return %arg0, %c0_i32 : i32, i32
  }
}

module attributes {stable_mosaic.version = 14 : i64} {
  func.func @body(%arg0: i32, %arg1: memref<1024x128xf32, #tpu.memory_space<vmem>>, %arg2: memref<2x1024x128xf32, #tpu.memory_space<vmem>>, %arg3: memref<2x1024x1xf32, #tpu.memory_space<vmem>>, %arg4: memref<128x128xf32, #tpu.memory_space<vmem>>, %arg5: memref<128x128xf32, #tpu.memory_space<vmem>>, %arg6: memref<1x128xf32, #tpu.memory_space<vmem>>, %arg7: memref<1024x128xf32, #tpu.memory_space<vmem>>) attributes {dimension_semantics = [#tpu.dimension_semantics<arbitrary>], iteration_bounds = array<i64: 10>, scalar_prefetch = 0 : i64, scratch_operands = 0 : i64, tpu.core_type = #tpu.core_type<tc>, window_params = [{transform_indices = @transform_0, window_bounds = array<i64: 1024, 128>}, {transform_indices = @transform_1, window_bounds = array<i64: 2, 1024, 128>}, {transform_indices = @transform_2, window_bounds = array<i64: 2, 1024, 1>}, {pipeline_mode = #tpu.pipeline_mode<synchronous>, transform_indices = @transform_3, window_bounds = array<i64: 128, 128>}, {pipeline_mode = #tpu.pipeline_mode<synchronous>, transform_indices = @transform_4, window_bounds = array<i64: 128, 128>}, {pipeline_mode = #tpu.pipeline_mode<synchronous>, transform_indices = @transform_5, window_bounds = array<i64: 1, 128>}, {transform_indices = @transform_6, window_bounds = array<i64: 1024, 128>}]} {
    %get3A = arith.constant 0 : index
    %get3A_0 = arith.constant 0 : index
    %get3A_1 = arith.constant 0 : index
    %get3A_2 = vector.load %arg3[%get3A, %get3A_0, %get3A_1] : memref<2x1024x1xf32, #tpu.memory_space<vmem>>, vector<1x1024x1xf32>
    %get3A_3 = vector.shape_cast %get3A_2 : vector<1x1024x1xf32> to vector<1024x1xf32>
    %get3A_4 = arith.constant 1 : index
    %get3A_5 = arith.constant 0 : index
    %get3A_6 = arith.constant 0 : index
    %get3A_7 = vector.load %arg3[%get3A_4, %get3A_5, %get3A_6] : memref<2x1024x1xf32, #tpu.memory_space<vmem>>, vector<1x1024x1xf32>
    %get3A_8 = vector.shape_cast %get3A_7 : vector<1x1024x1xf32> to vector<1024x1xf32>
    %add3A = arith.addf %get3A_3, %get3A_8 : vector<1024x1xf32>
    %max3A = arith.constant 1.000000e+00 : f32
    %max3A_9 = vector.broadcast %max3A : f32 to vector<1024x1xf32>
    %max3A_10 = arith.maximumf %add3A, %max3A_9 : vector<1024x1xf32>
    %div3A = arith.constant 1.000000e+00 : f32
    %div3A_11 = vector.broadcast %div3A : f32 to vector<1024x1xf32>
    %div3A_12 = arith.divf %div3A_11, %max3A_10 : vector<1024x1xf32>
    %get3A_13 = arith.constant 0 : index
    %get3A_14 = arith.constant 0 : index
    %get3A_15 = arith.constant 0 : index
    %get3A_16 = vector.load %arg2[%get3A_13, %get3A_14, %get3A_15] : memref<2x1024x128xf32, #tpu.memory_space<vmem>>, vector<1x1024x128xf32>
    %get3A_17 = vector.shape_cast %get3A_16 : vector<1x1024x128xf32> to vector<1024x128xf32>
    %get3A_18 = arith.constant 1 : index
    %get3A_19 = arith.constant 0 : index
    %get3A_20 = arith.constant 0 : index
    %get3A_21 = vector.load %arg2[%get3A_18, %get3A_19, %get3A_20] : memref<2x1024x128xf32, #tpu.memory_space<vmem>>, vector<1x1024x128xf32>
    %get3A_22 = vector.shape_cast %get3A_21 : vector<1x1024x128xf32> to vector<1024x128xf32>
    %add3A_23 = arith.addf %get3A_17, %get3A_22 : vector<1024x128xf32>
    %mul3A = vector.broadcast %div3A_12 : vector<1024x1xf32> to vector<1024x128xf32>
    %mul3A_24 = arith.mulf %add3A_23, %mul3A : vector<1024x128xf32>
    %get3A_25 = arith.constant 0 : index
    %get3A_26 = arith.constant 0 : index
    %get3A_27 = vector.load %arg1[%get3A_25, %get3A_26] : memref<1024x128xf32, #tpu.memory_space<vmem>>, vector<1024x128xf32>
    %get3A_28 = arith.constant 0 : index
    %get3A_29 = arith.constant 0 : index
    %get3A_30 = vector.load %arg4[%get3A_28, %get3A_29] : memref<128x128xf32, #tpu.memory_space<vmem>>, vector<128x128xf32>
    %dot_general3A = arith.constant dense<0.000000e+00> : vector<1024x128xf32>
    %dot_general3A_31 = tpu.matmul %get3A_27, %get3A_30, %dot_general3A {dimension_numbers = #tpu.dot_dimension_numbers<[1], [0], [0], [1], [0, 0, 1, 1], [], []>, transpose_lhs_hint = false} : vector<1024x128xf32>, vector<128x128xf32>, vector<1024x128xf32> -> vector<1024x128xf32>
    %get3A_32 = arith.constant 0 : index
    %get3A_33 = arith.constant 0 : index
    %get3A_34 = vector.load %arg5[%get3A_32, %get3A_33] : memref<128x128xf32, #tpu.memory_space<vmem>>, vector<128x128xf32>
    %dot_general3A_35 = arith.constant dense<0.000000e+00> : vector<1024x128xf32>
    %dot_general3A_36 = tpu.matmul %mul3A_24, %get3A_34, %dot_general3A_35 {dimension_numbers = #tpu.dot_dimension_numbers<[1], [0], [0], [1], [0, 0, 1, 1], [], []>, transpose_lhs_hint = false} : vector<1024x128xf32>, vector<128x128xf32>, vector<1024x128xf32> -> vector<1024x128xf32>
    %add3A_37 = arith.addf %dot_general3A_31, %dot_general3A_36 : vector<1024x128xf32>
    %get3A_38 = arith.constant 0 : index
    %get3A_39 = arith.constant 0 : index
    %get3A_40 = vector.load %arg6[%get3A_38, %get3A_39] : memref<1x128xf32, #tpu.memory_space<vmem>>, vector<1x128xf32>
    %add3A_41 = vector.broadcast %get3A_40 : vector<1x128xf32> to vector<1024x128xf32>
    %add3A_42 = arith.addf %add3A_37, %add3A_41 : vector<1024x128xf32>
    %swap3A = arith.constant 0 : index
    %swap3A_43 = arith.constant 0 : index
    %swap3A_44 = vector.load %arg7[%swap3A, %swap3A_43] : memref<1024x128xf32, #tpu.memory_space<vmem>>, vector<1024x128xf32>
    tpu.vector_store %arg7[%swap3A, %swap3A_43], %add3A_42 {strides = array<i32>} : memref<1024x128xf32, #tpu.memory_space<vmem>>, vector<1024x128xf32>,
    return
  }
  func.func @transform_0(%arg0: i32) -> (i32, i32) {
    %c0_i32 = arith.constant 0 : i32
    %c0_i32_0 = arith.constant 0 : i32
    return %arg0, %c0_i32 : i32, i32
  }
  func.func @transform_1(%arg0: i32) -> (i32, i32, i32) {
    %c0_i32 = arith.constant 0 : i32
    %c0_i32_0 = arith.constant 0 : i32
    %c0_i32_1 = arith.constant 0 : i32
    return %c0_i32, %arg0, %c0_i32_0 : i32, i32, i32
  }
  func.func @transform_2(%arg0: i32) -> (i32, i32, i32) {
    %c0_i32 = arith.constant 0 : i32
    %c0_i32_0 = arith.constant 0 : i32
    %c0_i32_1 = arith.constant 0 : i32
    return %c0_i32, %arg0, %c0_i32_0 : i32, i32, i32
  }
  func.func @transform_3(%arg0: i32) -> (i32, i32) {
    %c0_i32 = arith.constant 0 : i32
    %c0_i32_0 = arith.constant 0 : i32
    %c0_i32_1 = arith.constant 0 : i32
    return %c0_i32, %c0_i32_0 : i32, i32
  }
  func.func @transform_4(%arg0: i32) -> (i32, i32) {
    %c0_i32 = arith.constant 0 : i32
    %c0_i32_0 = arith.constant 0 : i32
    %c0_i32_1 = arith.constant 0 : i32
    return %c0_i32, %c0_i32_0 : i32, i32
  }
  func.func @transform_5(%arg0: i32) -> (i32, i32) {
    %c0_i32 = arith.constant 0 : i32
    %c0_i32_0 = arith.constant 0 : i32
    %c0_i32_1 = arith.constant 0 : i32
    return %c0_i32, %c0_i32_0 : i32, i32
  }
  func.func @transform_6(%arg0: i32) -> (i32, i32) {
    %c0_i32 = arith.constant 0 : i32
    %c0_i32_0 = arith.constant 0 : i32
    return %arg0, %c0_i32 : i32, i32
  }
}

</mosaic_0001>

<sc_bundles>
// kernel: kernel.6.cloned.1.call-start
scs
__scs_entry_jumppad:
0x0: {  	(pc) =	sbr.rel $0x88, $3  }
0x1: {  	(tag) =	ssettag $0x0;
	lr =	simm.s32 $0x1  }
0x2: {  	[smem:$0x3F99] =	sst lr;
	_ =	strace $0xD0000000  }
0x3: {  	_ = 	snop  }
0x4: {  	_ = 	snop  }
0x5: {  	_ = 	snop  }
0x6: {  	_ = 	snop  }
0x7: {  	_ = 	snop  }
__scs_overlays_trampoline_lowered:
0x8: {  	[smem:$0x3FA8] =	sst s0  }
0x9: {  	[smem:$0x3FA9] =	sst s1  }
0xa: {  	[smem:$0x3FAA] =	sst s2  }
0xb: {  	[smem:$0x3FAB] =	sst s3  }
0xc: {  	[smem:$0x3FAC] =	sst s4  }
0xd: {  	[smem:$0x3FAD] =	sst s5  }
0xe: {  	[smem:$0x3FAE] =	sst s6  }
0xf: {  	[smem:$0x3FAF] =	sst s7  }
0x10: {  	[smem:$0x3FB0] =	sst s8  }
0x11: {  	[smem:$0x3FB1] =	sst s9;
	s0 =	simm.s32 @!p0 $0x0  }
0x12: {  	s1 =	sld [smem:$0x3F97];
	s0 =	simm.s32 @p0 $0x1  }
0x13: {  	[smem:$0x3FB2] =	sst s0;
	s0 =	simm.s32 @!p1 $0x0  }
0x14: {  	s2 =	sld [smem:$0x3F96];
	s0 =	simm.s32 @p1 $0x1  }
0x15: {  	[smem:$0x3FB3] =	sst s0;
	s0 =	simm.s32 @!p2 $0x0  }
0x16: {  	s3 =	sld [smem:$0x3FDB];
	s0 =	simm.s32 @p2 $0x1  }
0x17: {  	s4 =	simm.s32 $0x1BF5;
	[smem:$0x3FB5] =	sst s0  }
0x18: {  	s0 =	sld [smem:$0x3F98];
	_ =	swait.ge [sflag:s4], $0x0  }
0x19: {  	s7 =	sld [smem:$0x3F99]  }
0x1a: {  	s8 =	sadd.s32 $0xFFFFE003, lr  }
0x1b: {  	s9 =	sadd.s32 $0xFFFFFEF7, lr;
	s5 =	simm.s32 $0xFFFFFFFF;
	p2 =	slt.u32 s8, $0xFFFFF086  }
0x1c: {  	p1 =	slt.u32 s9, $0xF7A;
	s5 =	simm.s32 @!p2 $0x0  }
0x1d: {  	s5 =	simm.s32 @p1 $0x1;
	p0 =	seq.s32 s7, s2  }
0x1e: {  	s7 =	smul.u32 @!p0 $0xF7A, s2;
	p2 =	seq.s32 @!p0 s5, $0x0  }
0x1f: {  	s9 =	smul.u32 $0xF7A, s1;
	s8 =	simm.s32 @!p0 $0x1BF5;
	p2 =	por !p2, p0  }
0x20: {  	[sflag:s8] =	ssyncset.s32 @!p0 $0xFFFFF086;
	s6 =	sadd.s32 @!p0 s3, s7;
	s7 =	simm.s32 @!p0 $0x108  }
0x21: {  	s3 =	sadd.s32 s3, s9;
	s6 =	sadd.s32 @!p0 $0x88, s6;
	s7 =	simm.s32 @p2 $0x1082  }
0x22: {  	[simem:s7], [sflag:s8] =	dma.local @!p0 [hbm:s6], $0xF7A  }
0x23: {  	s9 =	sor.u32 $0xD0000000, s2;
	s6 =	simm.s32 $0x108;
	_ =	swait.ge @!p0 [sflag:s8], $0x0  }
0x24: {  	s3 =	sadd.s32 $0x88, s3;
	s6 =	simm.s32 @!p1 $0x1082;
	[sflag:s4] =	ssyncset.s32 $0xFFFFF086  }
0x25: {  	[simem:s6], [sflag:s4] =	dma.local [hbm:s3], $0xF7A  }
0x26: {  	[smem:$0x3F99] =	sst s1;
	(tag) =	ssettag s2;
	_ =	strace s9  }
0x27: {  	s1 =	sld [smem:$0x3FA9]  }
0x28: {  	s2 =	sld [smem:$0x3FAA]  }
0x29: {  	s4 =	sld [smem:$0x3FAC]  }
0x2a: {  	p0 =	seq.s32 s5, $0x0;
	s5 =	sld [smem:$0x3FAD]  }
0x2b: {  	s6 =	sld [smem:$0x3FAE]  }
0x2c: {  	s7 =	sld [smem:$0x3FAF]  }
0x2d: {  	s3 =	simm.s32 $0x108;
	s8 =	sld [smem:$0x3FB0]  }
0x2e: {  	s3 =	simm.s32 @!p0 $0x1082;
	s9 =	sld [smem:$0x3FB1]  }
0x2f: {  	lr =	sadd.s32 s0, s3;
	s0 =	sld [smem:$0x3FA8]  }
0x30: {  	s3 =	sld [smem:$0x3FAB]  }
0x31: {  	[smem:$0x3FB4] =	sst s10  }
0x32: {  	s10 =	sld [smem:$0x3FB2];
	_ =	sdelay $0x3  }
0x33: {  	p0 =	seq.s32 s10, $0x1;
	s10 =	sld [smem:$0x3FB4];
	_ =	sdelay $0x3  }
0x34: {  	[smem:$0x3FB4] =	sst s10  }
0x35: {  	s10 =	sld [smem:$0x3FB3];
	_ =	sdelay $0x3  }
0x36: {  	p1 =	seq.s32 s10, $0x1;
	s10 =	sld [smem:$0x3FB4];
	_ =	sdelay $0x3  }
0x37: {  	[smem:$0x3FB4] =	sst s10  }
0x38: {  	s10 =	sld [smem:$0x3FB5]  }
0x39: {  	_ = 	snop;
	(pc) =	sbr.ind lr, $3  }
0x3a: {  	_ = 	snop  }
0x3b: {  	_ = 	snop  }
0x3c: {  	p2 =	seq.s32 s10, $0x1;
	s10 =	sld [smem:$0x3FB4]  }
0x3d: {  	_ =	shalt  }
0x3e: {  	_ =	shalt  }
0x3f: {  	_ =	shalt  }
0x40: {  	_ =	shalt  }
0x41: {  	_ =	shalt  }
0x42: {  	_ =	shalt  }
0x43: {  	_ =	shalt  }
0x44: {  	_ =	shalt  }
0x45: {  	_ =	shalt  }
0x46: {  	_ =	shalt  }
0x47: {  	_ =	shalt  }
0x48: {  	_ =	shalt  }
0x49: {  	_ =	shalt  }
0x4a: {  	_ =	shalt  }
0x4b: {  	_ =	shalt  }
0x4c: {  	_ =	shalt  }
0x4d: {  	_ =	shalt  }
0x4e: {  	_ =	shalt  }
0x4f: {  	_ =	shalt  }
0x50: {  	_ =	shalt  }
0x51: {  	_ =	shalt  }
0x52: {  	_ =	shalt  }
0x53: {  	_ =	shalt  }
0x54: {  	_ =	shalt  }
0x55: {  	_ =	shalt  }
0x56: {  	_ =	shalt  }
0x57: {  	_ =	shalt  }
0x58: {  	_ =	shalt  }
0x59: {  	_ =	shalt  }
0x5a: {  	_ =	shalt  }
0x5b: {  	_ =	shalt  }
0x5c: {  	_ =	shalt  }
0x5d: {  	_ =	shalt  }
0x5e: {  	_ =	shalt  }
0x5f: {  	_ =	shalt  }
0x60: {  	_ =	shalt  }
0x61: {  	_ =	shalt  }
0x62: {  	_ =	shalt  }
0x63: {  	_ =	shalt  }
0x64: {  	_ =	shalt  }
0x65: {  	_ =	shalt  }
0x66: {  	_ =	shalt  }
0x67: {  	_ =	shalt  }
0x68: {  	_ =	shalt  }
0x69: {  	_ =	shalt  }
0x6a: {  	_ =	shalt  }
0x6b: {  	_ =	shalt  }
0x6c: {  	_ =	shalt  }
0x6d: {  	_ =	shalt  }
0x6e: {  	_ =	shalt  }
0x6f: {  	_ =	shalt  }
0x70: {  	_ =	shalt  }
0x71: {  	_ =	shalt  }
0x72: {  	_ =	shalt  }
0x73: {  	_ =	shalt  }
0x74: {  	_ =	shalt  }
0x75: {  	_ =	shalt  }
0x76: {  	_ =	shalt  }
0x77: {  	_ =	shalt  }
0x78: {  	_ =	shalt  }
0x79: {  	_ =	shalt  }
0x7a: {  	_ =	shalt  }
0x7b: {  	_ =	shalt  }
0x7c: {  	_ =	shalt  }
0x7d: {  	_ =	shalt  }
0x7e: {  	_ =	shalt  }
0x7f: {  	_ =	shalt  }
0x80: {  	_ =	shalt  }
0x81: {  	_ =	shalt  }
0x82: {  	_ =	shalt  }
0x83: {  	_ =	shalt  }
0x84: {  	_ =	shalt  }
0x85: {  	_ =	shalt  }
0x86: {  	_ =	shalt  }
0x87: {  	_ =	shalt  }
.Lfunc_end0:
.L_simem_size_0:
called_computation_lowered:
.L_overlay_start_0:
0x88: {  	s2 =	sld [smem:$0x3FD9]  }
0x89: {  	s3 =	sld [smem:$0x3FFE];
	_ =	sdelay $0x1  }
0x8a: {  	s1 =	srdreg.scid  }
0x8b: {  	s0 =	sand.u32 $0x1, s1  }
0x8c: {  	s17 =	sshll.u32 s0, $0xA;
	s2 =	sadd.s32 s3, s2  }
0x8d: {  	s2 =	sadd.s32 s2, s17  }
0x8e: {  	[smem:$0x3FC0] =	sst s2  }
0x8f: {  	_ = 	snop  }
0x90: {  	s2 =	sld [smem:$0x3FD0];
	(tm) =	ssettm $0x1  }
0x91: {  	s18 =	sld [smem:$0x3FFB];
	_ =	sdelay $0x3  }
0x92: {  	_ =	strace s18  }
0x93: {  	s3 =	sld [smem:$0x3FFC];
	_ =	sdelay $0x3  }
0x94: {  	_ =	strace s3  }
0x95: {  	s3 =	sld [smem:$0x3FFD];
	_ =	sdelay $0x3  }
0x96: {  	_ =	strace s3  }
0x97: {  	_ =	strace $0x8FFFFFFF  }
0x98: {  	s19 =	sld [smem:$0x3FDB];
	_ =	sdelay $0x1  }
0x99: {  	s4 =	simm.s32 $_scs_section_size  }
0x9a: {  	s5 =	simm.s32 $_size__tile_overlayer_lowered;
	s6 =	simm.s32 $_tile_overlayer_lowered  }
0x9b: {  	s22 =	simm.s32 $0x1BFF;
	s21 =	sshll.u32 s6, $0x1;
	s3 =	sadd.s32 s4, s19  }
0x9c: {  	s7 =	simm.s32 $0x0;
	s20 =	sshll.u32 s5, $0x1;
	s5 =	sadd.s32 s21, s3  }
0x9d: {  	[timem:s7], [sflag:s22] =	dma.local [hbm:s5], s20  }
0x9e: {  	_ =	swait.ge [sflag:s22], s20  }
0x9f: {  	s4 =	ssub.s32 $0x0, s20;
	[sflag:s22] =	ssyncset.done $0x0  }
0xa0: {  	[sflag:s22] =	ssyncadd.s32 s4;
	_ =	sdelay $0x1  }
0xa1: {  	s23 =	simm.s32 $0x1B8B  }
0xa2: {  	_ =	swait.ge [sflag:s23], $0x1  }
0xa3: {  	[sflag:s23] =	ssyncset.done $0x0  }
0xa4: {  	s25 =	simm.s32 $0x1B8E;
	s24 =	sld [smem:$0x3FFE];
	[sflag:s23] =	ssyncadd.s32 $0xFFFFFFFF  }
0xa5: {  	s26 =	simm.s32 $execute0_lowered;
	[smem:$0x3FD2] =	sst s25  }
0xa6: {  	s5 =	sshll.u32 s26, $0x1;
	_ =	strace $0x80000046;
	[dreg:$0x1] =	wrdreg $0xFFFFFFFF  }
0xa7: {  	s28 =	simm.s32 $_size_execute0_lowered;
	s3 =	sadd.s32 s3, s5;
	[dreg:$0x0] =	wrdreg $0x0  }
0xa8: {  	s5 =	sshll.u32 s28, $0x1;
	[dreg:$0x2] =	wrdreg s3  }
0xa9: {  	[dreg:$0x3] =	wrdreg s5  }
0xaa: {  	[dreg:$0x4] =	wrdreg $0xC0  }
0xab: {  	_ =	task [dreg:s7], $0x5FFFF  }
0xac: {  	[dreg:$0x1] =	wrdreg $0xFFFFFFFF  }
0xad: {  	[dreg:$0x0] =	wrdreg $0x60  }
0xae: {  	[dreg:$0x2] =	wrdreg s24  }
0xaf: {  	[dreg:$0x3] =	wrdreg s2  }
0xb0: {  	[dreg:$0x4] =	wrdreg $0x28000  }
0xb1: {  	[dreg:$0x5] =	wrdreg $0x1E8800  }
0xb2: {  	[dreg:$0x6] =	wrdreg $0x9  }
0xb3: {  	_ =	task.clear_ibuf [dreg:s7], $0x7FFFF;
	_ =	strace $0x90000046  }
0xb4: {  	s29 =	simm.s32 $0x9;
	_ =	strace $0x80000048  }
0xb5: {  	_ =	swait.ge [sflag:s29], $0x1  }
0xb6: {  	[sflag:s29] =	ssyncadd.s32 $0xFFFFFFFF  }
0xb7: {  	_ =	strace $0x90000048  }
0xb8: {  	_ =	sfence  }
0xb9: {  	s30 =	sld [smem:$0x0];
	_ =	sdelay $0x2  }
0xba: {  	s31 =	sshll.u32 s1, $0xD;
	s1 =	sshrl.u32 s1, $0x2  }
0xbb: {  	s3 =	sand.u32 $0x4000, s31;
	s1 =	sadd.s32 s1, s30  }
0xbc: {  	s0 =	sor.u32 s3, s0;
	s1 =	sshll.u32 s1, $0x11  }
0xbd: {  	s0 =	sor.u32 s1, s0  }
0xbe: {  	s0 =	sadd.s32 $0x8F2B, s0  }
0xbf: {  	[sflag:s0] =	ssyncadd.remote.s32 $0x1  }
0xc0: {  	_ =	sfence.sel $0xFFFF  }
0xc1: {  	[dreg:$0x0] =	wrdreg $0xFFFFFFFF;
	(pc) =	sbr.abs _section_cstart, $3  }
0xc2: {  	[dreg:$0x1] =	wrdreg $0xFFFFFFFF  }
0xc3: {  	_ =	task.clear_ibuf [dreg:s7], $0x2FFFF;
	_ =	strace $0x9FFFFFFF  }
0xc4: {  	(tm) =	ssettm $0x7FFFFFFF  }
0xc5: {  	_ =	shalt  }
tec
execute0_lowered:
.L_overlay_start_1:
0x0: {  	(tag) =	ssettag $0x1  }
0x1: {  	s0 =	rddreg [dreg:$0x0]  }
0x2: {  	s5 =	rddreg [dreg:$0x1]  }
0x3: {  	s1 =	rddreg [dreg:$0x2]  }
0x4: {  	s2 =	rddreg [dreg:$0x3];
	s3 =	srdreg.scid  }
0x5: {  	s25 =	stileid.u32;
	s16 =	simm.s32 $0x3;
	s18 =	simm.s32 $0x1400  }
0x6: {  	s28 =	simm.s32 $0x2680;
	s29 =	simm.s32 $0x1380;
	s30 =	simm.s32 $0x2700  }
0x7: {  	s31 =	simm.s32 $0x2780;
	s6 =	sand.u32 $0x1, s3;
	s3 =	simm.s32 $0x0  }
0x8: {  	s8 =	smul.u32 $0x14000, s25;
	s4 =	sadd.s32 $0xCA00, s0;
	s11 =	sadd.s32 $0x2A00, s0  }
0x9: {  	s9 =	sadd.s32 $0x34C00, s0;
	s19 =	sadd.s32 $0x34A00, s0;
	s21 =	smul.u32 $0x50000, s25  }
0xa: {  	s22 =	smul.u32 $0xA00, s25;
	s23 =	sshll.u32 s25, $0x6;
	p0 =	sne.s32 s25, $0x0  }
0xb: {  	s7 =	smul.u32 $0x140000, s6;
	[smem:$0x7FF] =	sst s3;
	s20 =	sshll.u32 s6, $0x4  }
0xc: {  	s6 =	ssub.s32 $0x2, s6;
	_ =	strace $0x80000047;
	[dreg:$0x5] =	wrdreg s9  }
0xd: {  	[dreg:$0x6] =	wrdreg s19;
	s10 =	sshrl.u32 s6, $0x1;
	s9 =	sshrl.u32 s22, $0x2  }
0xe: {  	s19 =	simm.s32 $0x80;
	s22 =	simm.s32 $0x1;
	s7 =	sadd.s32 s8, s7  }
0xf: {  	s8 =	sor.u32 s25, s20;
	s6 =	ssub.s32 s6, s10;
	s17 =	sadd.s32 s9, s2  }
0x10: {  	s25 =	simm.s32 $0x2600;
	s7 =	sshrl.u32 s7, $0x3;
	s8 =	smul.u32 $0x2800, s8  }
0x11: {  	s14 =	smax.u32 s6, $0x1;
	s17 =	sshrl.u32 s17, $0x3;
	s12 =	sadd.s32 s7, s0  }
0x12: {  	s0 =	sadd.s32 s20, s0;
	s7 =	sshrl.u32 s21, $0x2;
	s20 =	simm.s32 $0x16800  }
0x13: {  	s21 =	simm.s32 $0x1A800;
	s15 =	sadd.s32 s7, s1;
	s7 =	sor.u32 $0x1C03, s23  }
0x14: {  	s24 =	sshrl.u32 s8, $0x3;
	s12 =	sadd.s32 $0x37E00, s12;
	s23 =	simm.s32 $0x1E800  }
0x15: {  	s8 =	sadd.s32 s5, s24;
	s13 =	sadd.s32 $0x280, s24;
	s26 =	sadd.s32 s11, s24  }
0x16: {  	s15 =	sshrl.u32 s15, $0x3;
	s24 =	simm.s32 $0x2;
	[dreg:$0x7] =	wrdreg s8  }
0x17: {  	[dreg:$0x8] =	wrdreg s26;
	s10 =	sadd.s32 s5, s13;
	s11 =	sadd.s32 s11, s13  }
0x18: {  	v0 =	vimm.f32 $1.000000000e+00;
	s13 =	sadd.s32 $0x37400, s0;
	s26 =	simm.s32 $0x1300;
	s0 =	simm.s32 $0x0  }
.LBB2_1:
0x19: {  	s5 =	rddreg [dreg:$0x5]  }
0x1a: {  	[spmem:s15], [sflag:s7] =	dma.local [hbm:s5], $0x2800  }
0x1b: {  	_ =	swait.ge [sflag:s16], $0x2800  }
0x1c: {  	[sflag:s16] =	ssyncset.done $0x0  }
0x1d: {  	s6 =	rddreg [dreg:$0x6];
	[sflag:s16] =	ssyncadd.s32 $0xFFFFD800  }
0x1e: {  	[spmem:s17], [sflag:s7] =	dma.local [hbm:s6], $0x50  }
0x1f: {  	_ =	swait.ge [sflag:s16], $0x50  }
0x20: {  	[sflag:s16] =	ssyncset.done $0x0  }
0x21: {  	[sflag:s16] =	ssyncadd.s32 $0xFFFFFFB0  }
0x22: {  	[tilespmem:$0x1E800] =	vst v0  }
0x23: {  	[tilespmem:$0x1E810] =	vst v0  }
0x24: {  	[tilespmem:$0x1E820] =	vst v0  }
0x25: {  	[tilespmem:$0x1E830] =	vst v0  }
0x26: {  	[tilespmem:$0x1E840] =	vst v0  }
0x27: {  	[tilespmem:$0x1E850] =	vst v0  }
0x28: {  	[tilespmem:$0x1E860] =	vst v0  }
0x29: {  	[tilespmem:$0x1E870] =	vst v0  }
0x2a: {  	[bflag:$0x0] =	sbarrier.arrive $0xFFFF  }
0x2b: {  	s8 =	rddreg [dreg:$0x7]  }
0x2c: {  	[tilespmem:s3], [sflag:$0x3] =	stream.linear.gather [hbm4b:s8+s3], $0x1400, $0x38;
	[tilespmem:$0x1EB00] =	vst v63  }
0x2d: {  	_ =	swait.ge [sflag:s16], $0x1400  }
0x2e: {  	[sflag:s16] =	ssyncset.done $0x0  }
0x2f: {  	s9 =	rddreg [dreg:$0x8];
	[sflag:s16] =	ssyncadd.s32 $0xFFFFEC00  }
0x30: {  	[tilespmem:s18], [sflag:$0x3] =	stream.linear.gather [hbm4b:s9+s3], $0x1400, $0x38;
	[tilespmem:$0x1EB00] =	vst v63  }
0x31: {  	_ =	swait.ge [sflag:s16], $0x1400  }
0x32: {  	[sflag:s16] =	ssyncset.done $0x0  }
0x33: {  	[sflag:s16] =	ssyncadd.s32 $0xFFFFEC00  }
0x34: {  	[tilespmem:s20], [sflag:$0x1] =	stream.indirect.gather [hbm4b:s4+s19], $0x80, s3, s19, $0xb8;
	[tilespmem:$0x1EB00] =	vst v63  }
0x35: {  	_ = 	snop  }
0x36: {  	[tilespmem:s21], [sflag:$0x2] =	stream.indirect.gather [hbm4b:s4+s19], $0x80, s19, s19, $0xb8;
	[tilespmem:$0x1EB00] =	vst v63  }
0x37: {  	_ =	swait.ge [sflag:s22], $0x4000  }
0x38: {  	[sflag:s22] =	ssyncset.done $0x0  }
0x39: {  	s6 =	simm.s32 $0x1400;
	[sflag:s22] =	ssyncadd.s32 $0xFFFFC000  }
0x3a: {  	[spmem:s1] =	stream.indirect.scatter.add.f32 [tilespmem:s20], [sflag:$0x3], $0x80, s6, s19, $0xb8;
	[tilespmem:$0x1EB00] =	vst v63  }
0x3b: {  	_ =	swait.ge [sflag:s16], $0x4000  }
0x3c: {  	[sflag:s16] =	ssyncset.done $0x0  }
0x3d: {  	[sflag:s16] =	ssyncadd.s32 $0xFFFFC000  }
0x3e: {  	[spmem:s2] =	stream.indirect.scatter.add.f32 [tilespmem:s23], [sflag:$0x3], $0x1, s6, s19, $0xb8;
	[tilespmem:$0x1EB00] =	vst v63  }
0x3f: {  	_ =	swait.ge [sflag:s16], $0x80  }
0x40: {  	[sflag:s16] =	ssyncset.done $0x0  }
0x41: {  	s8 =	simm.s32 $0x100;
	[sflag:s16] =	ssyncadd.s32 $0xFFFFFF80  }
0x42: {  	[tilespmem:s20], [sflag:$0x1] =	stream.indirect.gather [hbm4b:s4+s19], $0x80, s8, s19, $0xb8;
	[tilespmem:$0x1EB00] =	vst v63  }
0x43: {  	_ =	swait.ge [sflag:s24], $0x4000  }
0x44: {  	[sflag:s24] =	ssyncset.done $0x0  }
0x45: {  	s9 =	simm.s32 $0x1480;
	[sflag:s24] =	ssyncadd.s32 $0xFFFFC000  }
0x46: {  	[spmem:s1] =	stream.indirect.scatter.add.f32 [tilespmem:s21], [sflag:$0x3], $0x80, s9, s19, $0xb8;
	[tilespmem:$0x1EB00] =	vst v63  }
0x47: {  	_ =	swait.ge [sflag:s16], $0x4000  }
0x48: {  	[sflag:s16] =	ssyncset.done $0x0  }
0x49: {  	[sflag:s16] =	ssyncadd.s32 $0xFFFFC000  }
0x4a: {  	[spmem:s2] =	stream.indirect.scatter.add.f32 [tilespmem:s23], [sflag:$0x3], $0x1, s9, s19, $0xb8;
	[tilespmem:$0x1EB00] =	vst v63  }
0x4b: {  	_ =	swait.ge [sflag:s16], $0x80  }
0x4c: {  	[sflag:s16] =	ssyncset.done $0x0  }
0x4d: {  	s5 =	simm.s32 $0x400;
	s6 =	simm.s32 $0x180;
	[sflag:s16] =	ssyncadd.s32 $0xFFFFFF80  }
.LBB2_2:
0x4e: {  	[tilespmem:s21], [sflag:$0x2] =	stream.indirect.gather [hbm4b:s4+s19], $0x80, s6, s19, $0xb8;
	[tilespmem:$0x1EB00] =	vst v63  }
0x4f: {  	s6 =	smov.u32 s5  }
0x50: {  	p1 =	sne.s32 s5, $0x4400;
	s5 =	sadd.s32 $0x400, s5;
	_ =	swait.ge [sflag:s22], $0x4000  }
0x51: {  	s6 =	sshra.s32 s6, $0x2;
	[sflag:s22] =	ssyncset.done $0x0  }
0x52: {  	s8 =	sadd.s32 $0x1400, s6;
	[sflag:s22] =	ssyncadd.s32 $0xFFFFC000  }
0x53: {  	[spmem:s1] =	stream.indirect.scatter.add.f32 [tilespmem:s20], [sflag:$0x3], $0x80, s8, s19, $0xb8;
	[tilespmem:$0x1EB00] =	vst v63  }
0x54: {  	_ =	swait.ge [sflag:s16], $0x4000  }
0x55: {  	[sflag:s16] =	ssyncset.done $0x0  }
0x56: {  	[sflag:s16] =	ssyncadd.s32 $0xFFFFC000  }
0x57: {  	[spmem:s2] =	stream.indirect.scatter.add.f32 [tilespmem:s23], [sflag:$0x3], $0x1, s8, s19, $0xb8;
	[tilespmem:$0x1EB00] =	vst v63  }
0x58: {  	_ =	swait.ge [sflag:s16], $0x80  }
0x59: {  	[sflag:s16] =	ssyncset.done $0x0  }
0x5a: {  	s8 =	sadd.s32 $0x100, s6;
	[sflag:s16] =	ssyncadd.s32 $0xFFFFFF80  }
0x5b: {  	[tilespmem:s20], [sflag:$0x1] =	stream.indirect.gather [hbm4b:s4+s19], $0x80, s8, s19, $0xb8;
	[tilespmem:$0x1EB00] =	vst v63  }
0x5c: {  	_ =	swait.ge [sflag:s24], $0x4000  }
0x5d: {  	[sflag:s24] =	ssyncset.done $0x0  }
0x5e: {  	s8 =	sadd.s32 $0x1480, s6;
	[sflag:s24] =	ssyncadd.s32 $0xFFFFC000  }
0x5f: {  	[spmem:s1] =	stream.indirect.scatter.add.f32 [tilespmem:s21], [sflag:$0x3], $0x80, s8, s19, $0xb8;
	[tilespmem:$0x1EB00] =	vst v63  }
0x60: {  	_ =	swait.ge [sflag:s16], $0x4000  }
0x61: {  	[sflag:s16] =	ssyncset.done $0x0  }
.Ltmp0:
0x62: {  	[sflag:s16] =	ssyncadd.s32 $0xFFFFC000;
	(pc) =	sbr.rel @p1 .LBB2_2-.Ltmp0, $4  }
0x63: {  	[spmem:s2] =	stream.indirect.scatter.add.f32 [tilespmem:s23], [sflag:$0x3], $0x1, s8, s19, $0xb8;
	[tilespmem:$0x1EB00] =	vst v63  }
0x64: {  	_ =	swait.ge [sflag:s16], $0x80  }
0x65: {  	[sflag:s16] =	ssyncset.done $0x0  }
0x66: {  	s6 =	sadd.s32 $0x180, s6;
	[sflag:s16] =	ssyncadd.s32 $0xFFFFFF80  }
0x67: {  	[tilespmem:s21], [sflag:$0x2] =	stream.indirect.gather [hbm4b:s4+s19], $0x80, s6, s19, $0xb8;
	[tilespmem:$0x1EB00] =	vst v63  }
0x68: {  	_ =	swait.ge [sflag:s22], $0x4000  }
0x69: {  	[sflag:s22] =	ssyncset.done $0x0  }
0x6a: {  	[sflag:s22] =	ssyncadd.s32 $0xFFFFC000  }
0x6b: {  	[spmem:s1] =	stream.indirect.scatter.add.f32 [tilespmem:s20], [sflag:$0x3], $0x80, s25, s19, $0xb8;
	[tilespmem:$0x1EB00] =	vst v63  }
0x6c: {  	_ =	swait.ge [sflag:s16], $0x4000  }
0x6d: {  	[sflag:s16] =	ssyncset.done $0x0  }
0x6e: {  	[sflag:s16] =	ssyncadd.s32 $0xFFFFC000  }
0x6f: {  	[spmem:s2] =	stream.indirect.scatter.add.f32 [tilespmem:s23], [sflag:$0x3], $0x1, s25, s19, $0xb8;
	[tilespmem:$0x1EB00] =	vst v63  }
0x70: {  	_ =	swait.ge [sflag:s16], $0x80  }
0x71: {  	[sflag:s16] =	ssyncset.done $0x0  }
0x72: {  	[sflag:s16] =	ssyncadd.s32 $0xFFFFFF80  }
0x73: {  	[tilespmem:s20], [sflag:$0x1] =	stream.indirect.gather [hbm4b:s4+s19], $0x80, s26, s19, $0xb8;
	[tilespmem:$0x1EB00] =	vst v63  }
0x74: {  	_ =	swait.ge [sflag:s24], $0x4000  }
0x75: {  	[sflag:s24] =	ssyncset.done $0x0  }
0x76: {  	[sflag:s24] =	ssyncadd.s32 $0xFFFFC000  }
0x77: {  	[spmem:s1] =	stream.indirect.scatter.add.f32 [tilespmem:s21], [sflag:$0x3], $0x80, s28, s19, $0xb8;
	[tilespmem:$0x1EB00] =	vst v63  }
0x78: {  	_ =	swait.ge [sflag:s16], $0x4000  }
0x79: {  	[sflag:s16] =	ssyncset.done $0x0  }
0x7a: {  	[sflag:s16] =	ssyncadd.s32 $0xFFFFC000  }
0x7b: {  	[spmem:s2] =	stream.indirect.scatter.add.f32 [tilespmem:s23], [sflag:$0x3], $0x1, s28, s19, $0xb8;
	[tilespmem:$0x1EB00] =	vst v63  }
0x7c: {  	_ =	swait.ge [sflag:s16], $0x80  }
0x7d: {  	[sflag:s16] =	ssyncset.done $0x0  }
0x7e: {  	[sflag:s16] =	ssyncadd.s32 $0xFFFFFF80  }
0x7f: {  	[tilespmem:s21], [sflag:$0x2] =	stream.indirect.gather [hbm4b:s4+s19], $0x80, s29, s19, $0xb8;
	[tilespmem:$0x1EB00] =	vst v63  }
0x80: {  	_ =	swait.ge [sflag:s22], $0x4000  }
0x81: {  	[sflag:s22] =	ssyncset.done $0x0  }
0x82: {  	[sflag:s22] =	ssyncadd.s32 $0xFFFFC000  }
0x83: {  	[spmem:s1] =	stream.indirect.scatter.add.f32 [tilespmem:s20], [sflag:$0x3], $0x80, s30, s19, $0xb8;
	[tilespmem:$0x1EB00] =	vst v63  }
0x84: {  	_ =	swait.ge [sflag:s16], $0x4000  }
0x85: {  	[sflag:s16] =	ssyncset.done $0x0  }
0x86: {  	[sflag:s16] =	ssyncadd.s32 $0xFFFFC000  }
0x87: {  	[spmem:s2] =	stream.indirect.scatter.add.f32 [tilespmem:s23], [sflag:$0x3], $0x1, s30, s19, $0xb8;
	[tilespmem:$0x1EB00] =	vst v63  }
0x88: {  	_ =	swait.ge [sflag:s16], $0x80  }
0x89: {  	[sflag:s16] =	ssyncset.done $0x0  }
0x8a: {  	[sflag:s16] =	ssyncadd.s32 $0xFFFFFF80  }
0x8b: {  	[tilespmem:s20], [sflag:$0x1] =	stream.indirect.gather [hbm4b:s4+s19], $0x80, s29, s19, $0xb8;
	[tilespmem:$0x1EB00] =	vst v63  }
0x8c: {  	_ =	swait.ge [sflag:s24], $0x4000  }
0x8d: {  	[sflag:s24] =	ssyncset.done $0x0  }
0x8e: {  	[sflag:s24] =	ssyncadd.s32 $0xFFFFC000  }
0x8f: {  	[spmem:s1] =	stream.indirect.scatter.add.f32 [tilespmem:s21], [sflag:$0x3], $0x80, s31, s19, $0xb8;
	[tilespmem:$0x1EB00] =	vst v63  }
0x90: {  	_ =	swait.ge [sflag:s16], $0x4000  }
0x91: {  	[sflag:s16] =	ssyncset.done $0x0  }
0x92: {  	[sflag:s16] =	ssyncadd.s32 $0xFFFFC000  }
0x93: {  	[spmem:s2] =	stream.indirect.scatter.add.f32 [tilespmem:s23], [sflag:$0x3], $0x1, s31, s19, $0xb8;
	[tilespmem:$0x1EB00] =	vst v63  }
0x94: {  	_ =	swait.ge [sflag:s16], $0x80  }
0x95: {  	[sflag:s16] =	ssyncset.done $0x0  }
0x96: {  	[sflag:s16] =	ssyncadd.s32 $0xFFFFFF80  }
0x97: {  	[tilespmem:s21], [sflag:$0x2] =	stream.indirect.gather [hbm4b:s4+s19], $0x80, s29, s19, $0xb8;
	[tilespmem:$0x1EB00] =	vst v63  }
0x98: {  	_ =	swait.ge [sflag:s22], $0x4000  }
0x99: {  	[sflag:s22] =	ssyncset.done $0x0  }
0x9a: {  	[sflag:s22] =	ssyncadd.s32 $0xFFFFC000  }
0x9b: {  	_ =	swait.ge [sflag:s24], $0x4000  }
0x9c: {  	[sflag:s24] =	ssyncset.done $0x0  }
0x9d: {  	s5 =	simm.s32 $0x0;
	[sflag:s24] =	ssyncadd.s32 $0xFFFFC000  }
0x9e: {  	[tilespmem:s5], [sflag:$0x3] =	stream.linear.gather [hbm4b:s10+s5], $0x1400, $0x38;
	[tilespmem:$0x1EB00] =	vst v63  }
0x9f: {  	_ =	swait.ge [sflag:s16], $0x1400  }
0xa0: {  	[sflag:s16] =	ssyncset.done $0x0  }
0xa1: {  	[sflag:s16] =	ssyncadd.s32 $0xFFFFEC00  }
0xa2: {  	[tilespmem:s18], [sflag:$0x3] =	stream.linear.gather [hbm4b:s11+s5], $0x1400, $0x38;
	[tilespmem:$0x1EB00] =	vst v63  }
0xa3: {  	_ =	swait.ge [sflag:s16], $0x1400  }
0xa4: {  	[sflag:s16] =	ssyncset.done $0x0  }
0xa5: {  	[sflag:s16] =	ssyncadd.s32 $0xFFFFEC00  }
0xa6: {  	[tilespmem:s20], [sflag:$0x1] =	stream.indirect.gather [hbm4b:s4+s19], $0x80, s5, s19, $0xb8;
	[tilespmem:$0x1EB00] =	vst v63  }
0xa7: {  	_ = 	snop  }
0xa8: {  	[tilespmem:s21], [sflag:$0x2] =	stream.indirect.gather [hbm4b:s4+s19], $0x80, s19, s19, $0xb8;
	[tilespmem:$0x1EB00] =	vst v63  }
0xa9: {  	_ =	swait.ge [sflag:s22], $0x4000  }
0xaa: {  	[sflag:s22] =	ssyncset.done $0x0  }
0xab: {  	s6 =	simm.s32 $0x1400;
	[sflag:s22] =	ssyncadd.s32 $0xFFFFC000  }
0xac: {  	[spmem:s1] =	stream.indirect.scatter.add.f32 [tilespmem:s20], [sflag:$0x3], $0x80, s6, s19, $0xb8;
	[tilespmem:$0x1EB00] =	vst v63  }
0xad: {  	_ =	swait.ge [sflag:s16], $0x4000  }
0xae: {  	[sflag:s16] =	ssyncset.done $0x0  }
0xaf: {  	[sflag:s16] =	ssyncadd.s32 $0xFFFFC000  }
0xb0: {  	[spmem:s2] =	stream.indirect.scatter.add.f32 [tilespmem:s23], [sflag:$0x3], $0x1, s6, s19, $0xb8;
	[tilespmem:$0x1EB00] =	vst v63  }
0xb1: {  	_ =	swait.ge [sflag:s16], $0x80  }
0xb2: {  	[sflag:s16] =	ssyncset.done $0x0  }
0xb3: {  	s8 =	simm.s32 $0x100;
	[sflag:s16] =	ssyncadd.s32 $0xFFFFFF80  }
0xb4: {  	[tilespmem:s20], [sflag:$0x1] =	stream.indirect.gather [hbm4b:s4+s19], $0x80, s8, s19, $0xb8;
	[tilespmem:$0x1EB00] =	vst v63  }
0xb5: {  	_ =	swait.ge [sflag:s24], $0x4000  }
0xb6: {  	[sflag:s24] =	ssyncset.done $0x0  }
0xb7: {  	s9 =	simm.s32 $0x1480;
	[sflag:s24] =	ssyncadd.s32 $0xFFFFC000  }
0xb8: {  	[spmem:s1] =	stream.indirect.scatter.add.f32 [tilespmem:s21], [sflag:$0x3], $0x80, s9, s19, $0xb8;
	[tilespmem:$0x1EB00] =	vst v63  }
0xb9: {  	_ =	swait.ge [sflag:s16], $0x4000  }
0xba: {  	[sflag:s16] =	ssyncset.done $0x0  }
0xbb: {  	[sflag:s16] =	ssyncadd.s32 $0xFFFFC000  }
0xbc: {  	[spmem:s2] =	stream.indirect.scatter.add.f32 [tilespmem:s23], [sflag:$0x3], $0x1, s9, s19, $0xb8;
	[tilespmem:$0x1EB00] =	vst v63  }
0xbd: {  	_ =	swait.ge [sflag:s16], $0x80  }
0xbe: {  	[sflag:s16] =	ssyncset.done $0x0  }
0xbf: {  	s5 =	simm.s32 $0x400;
	s6 =	simm.s32 $0x180;
	[sflag:s16] =	ssyncadd.s32 $0xFFFFFF80  }
.LBB2_4:
0xc0: {  	[tilespmem:s21], [sflag:$0x2] =	stream.indirect.gather [hbm4b:s4+s19], $0x80, s6, s19, $0xb8;
	[tilespmem:$0x1EB00] =	vst v63  }
0xc1: {  	s6 =	smov.u32 s5  }
0xc2: {  	p1 =	sne.s32 s5, $0x4400;
	s5 =	sadd.s32 $0x400, s5;
	_ =	swait.ge [sflag:s22], $0x4000  }
0xc3: {  	s6 =	sshra.s32 s6, $0x2;
	[sflag:s22] =	ssyncset.done $0x0  }
0xc4: {  	s8 =	sadd.s32 $0x1400, s6;
	[sflag:s22] =	ssyncadd.s32 $0xFFFFC000  }
0xc5: {  	[spmem:s1] =	stream.indirect.scatter.add.f32 [tilespmem:s20], [sflag:$0x3], $0x80, s8, s19, $0xb8;
	[tilespmem:$0x1EB00] =	vst v63  }
0xc6: {  	_ =	swait.ge [sflag:s16], $0x4000  }
0xc7: {  	[sflag:s16] =	ssyncset.done $0x0  }
0xc8: {  	[sflag:s16] =	ssyncadd.s32 $0xFFFFC000  }
0xc9: {  	[spmem:s2] =	stream.indirect.scatter.add.f32 [tilespmem:s23], [sflag:$0x3], $0x1, s8, s19, $0xb8;
	[tilespmem:$0x1EB00] =	vst v63  }
0xca: {  	_ =	swait.ge [sflag:s16], $0x80  }
0xcb: {  	[sflag:s16] =	ssyncset.done $0x0  }
0xcc: {  	s8 =	sadd.s32 $0x100, s6;
	[sflag:s16] =	ssyncadd.s32 $0xFFFFFF80  }
0xcd: {  	[tilespmem:s20], [sflag:$0x1] =	stream.indirect.gather [hbm4b:s4+s19], $0x80, s8, s19, $0xb8;
	[tilespmem:$0x1EB00] =	vst v63  }
0xce: {  	_ =	swait.ge [sflag:s24], $0x4000  }
0xcf: {  	[sflag:s24] =	ssyncset.done $0x0  }
0xd0: {  	s8 =	sadd.s32 $0x1480, s6;
	[sflag:s24] =	ssyncadd.s32 $0xFFFFC000  }
0xd1: {  	[spmem:s1] =	stream.indirect.scatter.add.f32 [tilespmem:s21], [sflag:$0x3], $0x80, s8, s19, $0xb8;
	[tilespmem:$0x1EB00] =	vst v63  }
0xd2: {  	_ =	swait.ge [sflag:s16], $0x4000  }
0xd3: {  	[sflag:s16] =	ssyncset.done $0x0  }
.Ltmp1:
0xd4: {  	[sflag:s16] =	ssyncadd.s32 $0xFFFFC000;
	(pc) =	sbr.rel @p1 .LBB2_4-.Ltmp1, $4  }
0xd5: {  	[spmem:s2] =	stream.indirect.scatter.add.f32 [tilespmem:s23], [sflag:$0x3], $0x1, s8, s19, $0xb8;
	[tilespmem:$0x1EB00] =	vst v63  }
0xd6: {  	_ =	swait.ge [sflag:s16], $0x80  }
0xd7: {  	[sflag:s16] =	ssyncset.done $0x0  }
0xd8: {  	s6 =	sadd.s32 $0x180, s6;
	[sflag:s16] =	ssyncadd.s32 $0xFFFFFF80  }
0xd9: {  	[tilespmem:s21], [sflag:$0x2] =	stream.indirect.gather [hbm4b:s4+s19], $0x80, s6, s19, $0xb8;
	[tilespmem:$0x1EB00] =	vst v63  }
0xda: {  	_ =	swait.ge [sflag:s22], $0x4000  }
0xdb: {  	[sflag:s22] =	ssyncset.done $0x0  }
0xdc: {  	[sflag:s22] =	ssyncadd.s32 $0xFFFFC000  }
0xdd: {  	[spmem:s1] =	stream.indirect.scatter.add.f32 [tilespmem:s20], [sflag:$0x3], $0x80, s25, s19, $0xb8;
	[tilespmem:$0x1EB00] =	vst v63  }
0xde: {  	_ =	swait.ge [sflag:s16], $0x4000  }
0xdf: {  	[sflag:s16] =	ssyncset.done $0x0  }
0xe0: {  	[sflag:s16] =	ssyncadd.s32 $0xFFFFC000  }
0xe1: {  	[spmem:s2] =	stream.indirect.scatter.add.f32 [tilespmem:s23], [sflag:$0x3], $0x1, s25, s19, $0xb8;
	[tilespmem:$0x1EB00] =	vst v63  }
0xe2: {  	_ =	swait.ge [sflag:s16], $0x80  }
0xe3: {  	[sflag:s16] =	ssyncset.done $0x0  }
0xe4: {  	[sflag:s16] =	ssyncadd.s32 $0xFFFFFF80  }
0xe5: {  	[tilespmem:s20], [sflag:$0x1] =	stream.indirect.gather [hbm4b:s4+s19], $0x80, s26, s19, $0xb8;
	[tilespmem:$0x1EB00] =	vst v63  }
0xe6: {  	_ =	swait.ge [sflag:s24], $0x4000  }
0xe7: {  	[sflag:s24] =	ssyncset.done $0x0  }
0xe8: {  	[sflag:s24] =	ssyncadd.s32 $0xFFFFC000  }
0xe9: {  	[spmem:s1] =	stream.indirect.scatter.add.f32 [tilespmem:s21], [sflag:$0x3], $0x80, s28, s19, $0xb8;
	[tilespmem:$0x1EB00] =	vst v63  }
0xea: {  	_ =	swait.ge [sflag:s16], $0x4000  }
0xeb: {  	[sflag:s16] =	ssyncset.done $0x0  }
0xec: {  	[sflag:s16] =	ssyncadd.s32 $0xFFFFC000  }
0xed: {  	[spmem:s2] =	stream.indirect.scatter.add.f32 [tilespmem:s23], [sflag:$0x3], $0x1, s28, s19, $0xb8;
	[tilespmem:$0x1EB00] =	vst v63  }
0xee: {  	_ =	swait.ge [sflag:s16], $0x80  }
0xef: {  	[sflag:s16] =	ssyncset.done $0x0  }
0xf0: {  	[sflag:s16] =	ssyncadd.s32 $0xFFFFFF80  }
0xf1: {  	[tilespmem:s21], [sflag:$0x2] =	stream.indirect.gather [hbm4b:s4+s19], $0x80, s29, s19, $0xb8;
	[tilespmem:$0x1EB00] =	vst v63  }
0xf2: {  	_ =	swait.ge [sflag:s22], $0x4000  }
0xf3: {  	[sflag:s22] =	ssyncset.done $0x0  }
0xf4: {  	[sflag:s22] =	ssyncadd.s32 $0xFFFFC000  }
0xf5: {  	[spmem:s1] =	stream.indirect.scatter.add.f32 [tilespmem:s20], [sflag:$0x3], $0x80, s30, s19, $0xb8;
	[tilespmem:$0x1EB00] =	vst v63  }
0xf6: {  	_ =	swait.ge [sflag:s16], $0x4000  }
0xf7: {  	[sflag:s16] =	ssyncset.done $0x0  }
0xf8: {  	[sflag:s16] =	ssyncadd.s32 $0xFFFFC000  }
0xf9: {  	[spmem:s2] =	stream.indirect.scatter.add.f32 [tilespmem:s23], [sflag:$0x3], $0x1, s30, s19, $0xb8;
	[tilespmem:$0x1EB00] =	vst v63  }
0xfa: {  	_ =	swait.ge [sflag:s16], $0x80  }
0xfb: {  	[sflag:s16] =	ssyncset.done $0x0  }
0xfc: {  	[sflag:s16] =	ssyncadd.s32 $0xFFFFFF80  }
0xfd: {  	[tilespmem:s20], [sflag:$0x1] =	stream.indirect.gather [hbm4b:s4+s19], $0x80, s29, s19, $0xb8;
	[tilespmem:$0x1EB00] =	vst v63  }
0xfe: {  	_ =	swait.ge [sflag:s24], $0x4000  }
0xff: {  	[sflag:s24] =	ssyncset.done $0x0  }
0x100: {  	[sflag:s24] =	ssyncadd.s32 $0xFFFFC000  }
0x101: {  	[spmem:s1] =	stream.indirect.scatter.add.f32 [tilespmem:s21], [sflag:$0x3], $0x80, s31, s19, $0xb8;
	[tilespmem:$0x1EB00] =	vst v63  }
0x102: {  	_ =	swait.ge [sflag:s16], $0x4000  }
0x103: {  	[sflag:s16] =	ssyncset.done $0x0  }
0x104: {  	[sflag:s16] =	ssyncadd.s32 $0xFFFFC000  }
0x105: {  	[spmem:s2] =	stream.indirect.scatter.add.f32 [tilespmem:s23], [sflag:$0x3], $0x1, s31, s19, $0xb8;
	[tilespmem:$0x1EB00] =	vst v63  }
0x106: {  	_ =	swait.ge [sflag:s16], $0x80  }
0x107: {  	[sflag:s16] =	ssyncset.done $0x0  }
0x108: {  	[sflag:s16] =	ssyncadd.s32 $0xFFFFFF80  }
0x109: {  	[tilespmem:s21], [sflag:$0x2] =	stream.indirect.gather [hbm4b:s4+s19], $0x80, s29, s19, $0xb8;
	[tilespmem:$0x1EB00] =	vst v63  }
0x10a: {  	_ =	swait.ge [sflag:s22], $0x4000  }
0x10b: {  	[sflag:s22] =	ssyncset.done $0x0  }
0x10c: {  	[sflag:s22] =	ssyncadd.s32 $0xFFFFC000  }
0x10d: {  	_ =	swait.ge [sflag:s24], $0x4000  }
0x10e: {  	[sflag:s24] =	ssyncset.done $0x0  }
0x10f: {  	[sflag:s24] =	ssyncadd.s32 $0xFFFFC000  }
0x110: {  	[bflag:$0x0] =	sbarrier.arrive $0xFFFF  }
0x111: {  	[hbm:s12], [sflag:s7] =	dma.local [spmem:s15], $0x2800  }
0x112: {  	s5 =	sshrl.u32 @!p0 s2, $0x3;
	s6 =	simm.s32 @!p0 $0x1;
	_ =	swait.ge [sflag:s16], $0x2800  }
0x113: {  	s8 =	simm.s32 @!p0 $0x20;
	s0 =	sadd.s32 $0x1, s0;
	[sflag:s16] =	ssyncset.done $0x0  }
0x114: {  	s9 =	simm.s32 @!p0 $0x10;
	p1 =	sne.s32 s0, s14;
	[sflag:s16] =	ssyncadd.s32 $0xFFFFD800  }
0x115: {  	[hbm:s13@s8], [sflag:s7] =	dma.strided @!p0 [spmem:s5@s9], $0x500, s6, $0x10   }
.Ltmp2:
0x116: {  	_ = 	snop;
	(pc) =	sbr.rel @p1 .LBB2_1-.Ltmp2, $4  }
0x117: {  	s5 =	simm.s32 @!p0 $0x3  }
0x118: {  	_ =	swait.ge @!p0 [sflag:s5], $0x500  }
0x119: {  	[sflag:s5] =	ssyncset.done @!p0 $0x0  }
0x11a: {  	[sflag:s5] =	ssyncadd.s32 @!p0 $0xFFFFFB00  }
0x11b: {  	_ =	sfence.sel $0x180000  }
0x11c: {  	[bflag:$0x0] =	sbarrier.arrive $0xFFFF  }
0x11d: {  	_ =	strace $0x90000047  }
0x11e: {  	[bflag:$0x2] =	sbarrier.arrive $0xFFFF  }
0x11f: {  	s0 =	rddreg [dreg:$0x4]  }
0x120: {  	s0 =	sadd.s32 @!p0 $0x100000, s0  }
0x121: {  	[sflag:s0] =	ssyncadd.tile.s32 @!p0 $0x1;
	_ =	shalt  }
.Lfunc_end2:
_tile_overlayer_lowered:
.L_overlay_start_2:
0x122: {  	(tag) =	ssettag $0x2  }
0x123: {  	s0 =	rddreg [dreg:$0x0];
	s2 =	stileid.u32  }
0x124: {  	s1 =	rddreg [dreg:$0x1];
	p0 =	sne.s32 s2, $0x0  }
0x125: {  	s3 =	rddreg [dreg:$0x2];
	[bflag:$0x3] =	sbarrier.arrive $0xFFFF;
	s2 =	simm.s32 @!p0 $0x1C03  }
0x126: {  	[timem:s3], [sflag:s2] =	dma.local @!p0 [hbm:s0], s1  }
0x127: {  	s0 =	simm.s32 @!p0 $0x3  }
0x128: {  	_ =	swait.ge @!p0 [sflag:s0], s1  }
0x129: {  	s1 =	ssub.s32 @!p0 $0x0, s1;
	[sflag:s0] =	ssyncset.done @!p0 $0x0  }
0x12a: {  	[sflag:s0] =	ssyncadd.s32 @!p0 s1  }
0x12b: {  	[bflag:$0x3] =	sbarrier.arrive $0xFFFF  }
0x12c: {  	_ =	shalt  }

// kernel: kernel.9.cloned.1.call-start
scs
__scs_entry_jumppad:
0x0: {  	(pc) =	sbr.rel $0x88, $3  }
0x1: {  	(tag) =	ssettag $0x0;
	lr =	simm.s32 $0x1  }
0x2: {  	[smem:$0x3F99] =	sst lr;
	_ =	strace $0xD0000000  }
0x3: {  	_ = 	snop  }
0x4: {  	_ = 	snop  }
0x5: {  	_ = 	snop  }
0x6: {  	_ = 	snop  }
0x7: {  	_ = 	snop  }
__scs_overlays_trampoline_lowered:
0x8: {  	[smem:$0x3FA8] =	sst s0  }
0x9: {  	[smem:$0x3FA9] =	sst s1  }
0xa: {  	[smem:$0x3FAA] =	sst s2  }
0xb: {  	[smem:$0x3FAB] =	sst s3  }
0xc: {  	[smem:$0x3FAC] =	sst s4  }
0xd: {  	[smem:$0x3FAD] =	sst s5  }
0xe: {  	[smem:$0x3FAE] =	sst s6  }
0xf: {  	[smem:$0x3FAF] =	sst s7  }
0x10: {  	[smem:$0x3FB0] =	sst s8  }
0x11: {  	[smem:$0x3FB1] =	sst s9;
	s0 =	simm.s32 @!p0 $0x0  }
0x12: {  	s1 =	sld [smem:$0x3F97];
	s0 =	simm.s32 @p0 $0x1  }
0x13: {  	[smem:$0x3FB2] =	sst s0;
	s0 =	simm.s32 @!p1 $0x0  }
0x14: {  	s2 =	sld [smem:$0x3F96];
	s0 =	simm.s32 @p1 $0x1  }
0x15: {  	[smem:$0x3FB3] =	sst s0;
	s0 =	simm.s32 @!p2 $0x0  }
0x16: {  	s3 =	sld [smem:$0x3FDB];
	s0 =	simm.s32 @p2 $0x1  }
0x17: {  	s4 =	simm.s32 $0x1BF5;
	[smem:$0x3FB5] =	sst s0  }
0x18: {  	s0 =	sld [smem:$0x3F98];
	_ =	swait.ge [sflag:s4], $0x0  }
0x19: {  	s7 =	sld [smem:$0x3F99]  }
0x1a: {  	s8 =	sadd.s32 $0xFFFFE003, lr  }
0x1b: {  	s9 =	sadd.s32 $0xFFFFFEF7, lr;
	s5 =	simm.s32 $0xFFFFFFFF;
	p2 =	slt.u32 s8, $0xFFFFF086  }
0x1c: {  	p1 =	slt.u32 s9, $0xF7A;
	s5 =	simm.s32 @!p2 $0x0  }
0x1d: {  	s5 =	simm.s32 @p1 $0x1;
	p0 =	seq.s32 s7, s2  }
0x1e: {  	s7 =	smul.u32 @!p0 $0xF7A, s2;
	p2 =	seq.s32 @!p0 s5, $0x0  }
0x1f: {  	s9 =	smul.u32 $0xF7A, s1;
	s8 =	simm.s32 @!p0 $0x1BF5;
	p2 =	por !p2, p0  }
0x20: {  	[sflag:s8] =	ssyncset.s32 @!p0 $0xFFFFF086;
	s6 =	sadd.s32 @!p0 s3, s7;
	s7 =	simm.s32 @!p0 $0x108  }
0x21: {  	s3 =	sadd.s32 s3, s9;
	s6 =	sadd.s32 @!p0 $0x88, s6;
	s7 =	simm.s32 @p2 $0x1082  }
0x22: {  	[simem:s7], [sflag:s8] =	dma.local @!p0 [hbm:s6], $0xF7A  }
0x23: {  	s9 =	sor.u32 $0xD0000000, s2;
	s6 =	simm.s32 $0x108;
	_ =	swait.ge @!p0 [sflag:s8], $0x0  }
0x24: {  	s3 =	sadd.s32 $0x88, s3;
	s6 =	simm.s32 @!p1 $0x1082;
	[sflag:s4] =	ssyncset.s32 $0xFFFFF086  }
0x25: {  	[simem:s6], [sflag:s4] =	dma.local [hbm:s3], $0xF7A  }
0x26: {  	[smem:$0x3F99] =	sst s1;
	(tag) =	ssettag s2;
	_ =	strace s9  }
0x27: {  	s1 =	sld [smem:$0x3FA9]  }
0x28: {  	s2 =	sld [smem:$0x3FAA]  }
0x29: {  	s4 =	sld [smem:$0x3FAC]  }
0x2a: {  	p0 =	seq.s32 s5, $0x0;
	s5 =	sld [smem:$0x3FAD]  }
0x2b: {  	s6 =	sld [smem:$0x3FAE]  }
0x2c: {  	s7 =	sld [smem:$0x3FAF]  }
0x2d: {  	s3 =	simm.s32 $0x108;
	s8 =	sld [smem:$0x3FB0]  }
0x2e: {  	s3 =	simm.s32 @!p0 $0x1082;
	s9 =	sld [smem:$0x3FB1]  }
0x2f: {  	lr =	sadd.s32 s0, s3;
	s0 =	sld [smem:$0x3FA8]  }
0x30: {  	s3 =	sld [smem:$0x3FAB]  }
0x31: {  	[smem:$0x3FB4] =	sst s10  }
0x32: {  	s10 =	sld [smem:$0x3FB2];
	_ =	sdelay $0x3  }
0x33: {  	p0 =	seq.s32 s10, $0x1;
	s10 =	sld [smem:$0x3FB4];
	_ =	sdelay $0x3  }
0x34: {  	[smem:$0x3FB4] =	sst s10  }
0x35: {  	s10 =	sld [smem:$0x3FB3];
	_ =	sdelay $0x3  }
0x36: {  	p1 =	seq.s32 s10, $0x1;
	s10 =	sld [smem:$0x3FB4];
	_ =	sdelay $0x3  }
0x37: {  	[smem:$0x3FB4] =	sst s10  }
0x38: {  	s10 =	sld [smem:$0x3FB5]  }
0x39: {  	_ = 	snop;
	(pc) =	sbr.ind lr, $3  }
0x3a: {  	_ = 	snop  }
0x3b: {  	_ = 	snop  }
0x3c: {  	p2 =	seq.s32 s10, $0x1;
	s10 =	sld [smem:$0x3FB4]  }
0x3d: {  	_ =	shalt  }
0x3e: {  	_ =	shalt  }
0x3f: {  	_ =	shalt  }
0x40: {  	_ =	shalt  }
0x41: {  	_ =	shalt  }
0x42: {  	_ =	shalt  }
0x43: {  	_ =	shalt  }
0x44: {  	_ =	shalt  }
0x45: {  	_ =	shalt  }
0x46: {  	_ =	shalt  }
0x47: {  	_ =	shalt  }
0x48: {  	_ =	shalt  }
0x49: {  	_ =	shalt  }
0x4a: {  	_ =	shalt  }
0x4b: {  	_ =	shalt  }
0x4c: {  	_ =	shalt  }
0x4d: {  	_ =	shalt  }
0x4e: {  	_ =	shalt  }
0x4f: {  	_ =	shalt  }
0x50: {  	_ =	shalt  }
0x51: {  	_ =	shalt  }
0x52: {  	_ =	shalt  }
0x53: {  	_ =	shalt  }
0x54: {  	_ =	shalt  }
0x55: {  	_ =	shalt  }
0x56: {  	_ =	shalt  }
0x57: {  	_ =	shalt  }
0x58: {  	_ =	shalt  }
0x59: {  	_ =	shalt  }
0x5a: {  	_ =	shalt  }
0x5b: {  	_ =	shalt  }
0x5c: {  	_ =	shalt  }
0x5d: {  	_ =	shalt  }
0x5e: {  	_ =	shalt  }
0x5f: {  	_ =	shalt  }
0x60: {  	_ =	shalt  }
0x61: {  	_ =	shalt  }
0x62: {  	_ =	shalt  }
0x63: {  	_ =	shalt  }
0x64: {  	_ =	shalt  }
0x65: {  	_ =	shalt  }
0x66: {  	_ =	shalt  }
0x67: {  	_ =	shalt  }
0x68: {  	_ =	shalt  }
0x69: {  	_ =	shalt  }
0x6a: {  	_ =	shalt  }
0x6b: {  	_ =	shalt  }
0x6c: {  	_ =	shalt  }
0x6d: {  	_ =	shalt  }
0x6e: {  	_ =	shalt  }
0x6f: {  	_ =	shalt  }
0x70: {  	_ =	shalt  }
0x71: {  	_ =	shalt  }
0x72: {  	_ =	shalt  }
0x73: {  	_ =	shalt  }
0x74: {  	_ =	shalt  }
0x75: {  	_ =	shalt  }
0x76: {  	_ =	shalt  }
0x77: {  	_ =	shalt  }
0x78: {  	_ =	shalt  }
0x79: {  	_ =	shalt  }
0x7a: {  	_ =	shalt  }
0x7b: {  	_ =	shalt  }
0x7c: {  	_ =	shalt  }
0x7d: {  	_ =	shalt  }
0x7e: {  	_ =	shalt  }
0x7f: {  	_ =	shalt  }
0x80: {  	_ =	shalt  }
0x81: {  	_ =	shalt  }
0x82: {  	_ =	shalt  }
0x83: {  	_ =	shalt  }
0x84: {  	_ =	shalt  }
0x85: {  	_ =	shalt  }
0x86: {  	_ =	shalt  }
0x87: {  	_ =	shalt  }
.Lfunc_end0:
.L_simem_size_0:
called_computation.1_lowered:
.L_overlay_start_0:
0x88: {  	s2 =	sld [smem:$0x3FD9]  }
0x89: {  	s3 =	sld [smem:$0x3FFE];
	_ =	sdelay $0x1  }
0x8a: {  	s1 =	srdreg.scid  }
0x8b: {  	s0 =	sand.u32 $0x1, s1  }
0x8c: {  	s17 =	sshll.u32 s0, $0xA;
	s2 =	sadd.s32 s3, s2  }
0x8d: {  	s2 =	sadd.s32 s2, s17  }
0x8e: {  	[smem:$0x3FC0] =	sst s2  }
0x8f: {  	_ = 	snop  }
0x90: {  	s2 =	sld [smem:$0x3FD0];
	(tm) =	ssettm $0x1  }
0x91: {  	s18 =	sld [smem:$0x3FFB];
	_ =	sdelay $0x3  }
0x92: {  	_ =	strace s18  }
0x93: {  	s3 =	sld [smem:$0x3FFC];
	_ =	sdelay $0x3  }
0x94: {  	_ =	strace s3  }
0x95: {  	s3 =	sld [smem:$0x3FFD];
	_ =	sdelay $0x3  }
0x96: {  	_ =	strace s3  }
0x97: {  	_ =	strace $0x8FFFFFFF  }
0x98: {  	s19 =	sld [smem:$0x3FDB];
	_ =	sdelay $0x1  }
0x99: {  	s4 =	simm.s32 $_scs_section_size  }
0x9a: {  	s5 =	simm.s32 $_size__tile_overlayer_lowered;
	s6 =	simm.s32 $_tile_overlayer_lowered  }
0x9b: {  	s22 =	simm.s32 $0x1BFF;
	s21 =	sshll.u32 s6, $0x1;
	s3 =	sadd.s32 s4, s19  }
0x9c: {  	s7 =	simm.s32 $0x0;
	s20 =	sshll.u32 s5, $0x1;
	s5 =	sadd.s32 s21, s3  }
0x9d: {  	[timem:s7], [sflag:s22] =	dma.local [hbm:s5], s20  }
0x9e: {  	_ =	swait.ge [sflag:s22], s20  }
0x9f: {  	s4 =	ssub.s32 $0x0, s20;
	[sflag:s22] =	ssyncset.done $0x0  }
0xa0: {  	[sflag:s22] =	ssyncadd.s32 s4;
	_ =	sdelay $0x1  }
0xa1: {  	s23 =	simm.s32 $0x1B8B  }
0xa2: {  	_ =	swait.ge [sflag:s23], $0x1  }
0xa3: {  	[sflag:s23] =	ssyncset.done $0x0  }
0xa4: {  	s25 =	simm.s32 $0x1B8E;
	s24 =	sld [smem:$0x3FFE];
	[sflag:s23] =	ssyncadd.s32 $0xFFFFFFFF  }
0xa5: {  	s26 =	simm.s32 $execute0_lowered;
	[smem:$0x3FD2] =	sst s25  }
0xa6: {  	s5 =	sshll.u32 s26, $0x1;
	_ =	strace $0x80000049;
	[dreg:$0x1] =	wrdreg $0xFFFFFFFF  }
0xa7: {  	s28 =	simm.s32 $_size_execute0_lowered;
	s3 =	sadd.s32 s3, s5;
	[dreg:$0x0] =	wrdreg $0x0  }
0xa8: {  	s5 =	sshll.u32 s28, $0x1;
	[dreg:$0x2] =	wrdreg s3  }
0xa9: {  	[dreg:$0x3] =	wrdreg s5  }
0xaa: {  	[dreg:$0x4] =	wrdreg $0xC0  }
0xab: {  	_ =	task [dreg:s7], $0x5FFFF  }
0xac: {  	[dreg:$0x1] =	wrdreg $0xFFFFFFFF  }
0xad: {  	[dreg:$0x0] =	wrdreg $0x60  }
0xae: {  	[dreg:$0x2] =	wrdreg s24  }
0xaf: {  	[dreg:$0x3] =	wrdreg s2  }
0xb0: {  	[dreg:$0x4] =	wrdreg $0x28000  }
0xb1: {  	[dreg:$0x5] =	wrdreg $0x9  }
0xb2: {  	_ =	task.clear_ibuf [dreg:s7], $0x6FFFF;
	_ =	strace $0x90000049  }
0xb3: {  	s29 =	simm.s32 $0x9;
	_ =	strace $0x8000004B  }
0xb4: {  	_ =	swait.ge [sflag:s29], $0x1  }
0xb5: {  	[sflag:s29] =	ssyncadd.s32 $0xFFFFFFFF  }
0xb6: {  	_ =	strace $0x9000004B  }
0xb7: {  	_ =	sfence  }
0xb8: {  	s30 =	sld [smem:$0x0];
	_ =	sdelay $0x2  }
0xb9: {  	s31 =	sshll.u32 s1, $0xD;
	s1 =	sshrl.u32 s1, $0x2  }
0xba: {  	s3 =	sand.u32 $0x4000, s31;
	s1 =	sadd.s32 s1, s30  }
0xbb: {  	s0 =	sor.u32 s3, s0;
	s1 =	sshll.u32 s1, $0x11  }
0xbc: {  	s0 =	sor.u32 s1, s0  }
0xbd: {  	s0 =	sadd.s32 $0x8F2B, s0  }
0xbe: {  	[sflag:s0] =	ssyncadd.remote.s32 $0x1  }
0xbf: {  	_ =	sfence.sel $0xFFFF  }
0xc0: {  	[dreg:$0x0] =	wrdreg $0xFFFFFFFF;
	(pc) =	sbr.abs _section_cstart, $3  }
0xc1: {  	[dreg:$0x1] =	wrdreg $0xFFFFFFFF  }
0xc2: {  	_ =	task.clear_ibuf [dreg:s7], $0x2FFFF;
	_ =	strace $0x9FFFFFFF  }
0xc3: {  	(tm) =	ssettm $0x7FFFFFFF  }
tec
execute0_lowered:
.L_overlay_start_1:
0x0: {  	(tag) =	ssettag $0x1  }
0x1: {  	s6 =	rddreg [dreg:$0x0]  }
0x2: {  	s9 =	rddreg [dreg:$0x1]  }
0x3: {  	s1 =	rddreg [dreg:$0x2];
	s2 =	srdreg.scid  }
0x4: {  	s0 =	rddreg [dreg:$0x3];
	s3 =	simm.s32 $0x0;
	s15 =	simm.s32 $0x1400  }
0x5: {  	s16 =	simm.s32 $0x80;
	s17 =	simm.s32 $0x16800;
	s18 =	simm.s32 $0x1A800  }
0x6: {  	s19 =	simm.s32 $0x1;
	s20 =	simm.s32 $0x2;
	s21 =	simm.s32 $0x2600  }
0x7: {  	s28 =	simm.s32 $0x0;
	s5 =	sand.u32 $0x1, s2;
	s2 =	stileid.u32  }
0x8: {  	[smem:$0x7FF] =	sst s3;
	s4 =	sadd.s32 $0xCA00, s6;
	s7 =	smul.u32 $0x140000, s5  }
0x9: {  	s10 =	sadd.s32 $0x2A00, s6;
	s8 =	smul.u32 $0x14000, s2;
	_ =	strace $0x8000004A  }
0xa: {  	s22 =	sshll.u32 s5, $0x4;
	s11 =	ssub.s32 $0x2, s5;
	s24 =	smul.u32 $0x50000, s2  }
0xb: {  	s5 =	sadd.s32 $0x34C00, s6;
	s26 =	sshll.u32 s2, $0x6;
	s23 =	sor.u32 s2, s22  }
0xc: {  	s12 =	sshrl.u32 s11, $0x1;
	s22 =	simm.s32 $0x1300;
	s7 =	sadd.s32 s8, s7  }
0xd: {  	s13 =	smul.u32 $0x2800, s23;
	s12 =	ssub.s32 s11, s12;
	s25 =	sshrl.u32 s24, $0x2  }
0xe: {  	s23 =	simm.s32 $0x2680;
	s24 =	simm.s32 $0x1380;
	s7 =	sshrl.u32 s7, $0x3  }
0xf: {  	s30 =	sadd.s32 s25, s1;
	s12 =	smax.u32 s12, $0x1;
	s25 =	simm.s32 $0x2700  }
0x10: {  	s14 =	sadd.s32 s7, s6;
	s29 =	sshrl.u32 s13, $0x3;
	s6 =	sor.u32 $0x1C03, s26  }
0x11: {  	s13 =	sshrl.u32 s30, $0x3;
	s26 =	simm.s32 $0x2780;
	s31 =	sadd.s32 $0x280, s29  }
0x12: {  	s7 =	sadd.s32 s9, s29;
	s8 =	sadd.s32 s10, s29;
	s11 =	sadd.s32 $0x37400, s14  }
0x13: {  	s14 =	simm.s32 $0x3;
	s9 =	sadd.s32 s9, s31;
	s10 =	sadd.s32 s10, s31  }
.LBB2_1:
0x14: {  	[spmem:s13], [sflag:s6] =	dma.local [hbm:s5], $0x2800  }
0x15: {  	_ =	swait.ge [sflag:s14], $0x2800  }
0x16: {  	[sflag:s14] =	ssyncset.done $0x0  }
0x17: {  	[sflag:s14] =	ssyncadd.s32 $0xFFFFD800  }
0x18: {  	[bflag:$0x0] =	sbarrier.arrive $0xFFFF  }
0x19: {  	[tilespmem:s3], [sflag:$0x3] =	stream.linear.gather [hbm4b:s7+s3], $0x1400, $0x38;
	[tilespmem:$0x1E800] =	vst v63  }
0x1a: {  	_ =	swait.ge [sflag:s14], $0x1400  }
0x1b: {  	[sflag:s14] =	ssyncset.done $0x0  }
0x1c: {  	[sflag:s14] =	ssyncadd.s32 $0xFFFFEC00  }
0x1d: {  	[tilespmem:s15], [sflag:$0x3] =	stream.linear.gather [hbm4b:s8+s3], $0x1400, $0x38;
	[tilespmem:$0x1E800] =	vst v63  }
0x1e: {  	_ =	swait.ge [sflag:s14], $0x1400  }
0x1f: {  	[sflag:s14] =	ssyncset.done $0x0  }
0x20: {  	[sflag:s14] =	ssyncadd.s32 $0xFFFFEC00  }
0x21: {  	[tilespmem:s17], [sflag:$0x1] =	stream.indirect.gather [hbm4b:s4+s16], $0x80, s3, s16, $0xb8;
	[tilespmem:$0x1E800] =	vst v63  }
0x22: {  	_ = 	snop  }
0x23: {  	[tilespmem:s18], [sflag:$0x2] =	stream.indirect.gather [hbm4b:s4+s16], $0x80, s16, s16, $0xb8;
	[tilespmem:$0x1E800] =	vst v63  }
0x24: {  	_ =	swait.ge [sflag:s19], $0x4000  }
0x25: {  	[sflag:s19] =	ssyncset.done $0x0  }
0x26: {  	s29 =	simm.s32 $0x1400;
	[sflag:s19] =	ssyncadd.s32 $0xFFFFC000  }
0x27: {  	[spmem:s1] =	stream.indirect.scatter.add.f32 [tilespmem:s17], [sflag:$0x3], $0x80, s29, s16, $0xb8;
	[tilespmem:$0x1E800] =	vst v63  }
0x28: {  	_ =	swait.ge [sflag:s14], $0x4000  }
0x29: {  	[sflag:s14] =	ssyncset.done $0x0  }
0x2a: {  	s29 =	simm.s32 $0x100;
	[sflag:s14] =	ssyncadd.s32 $0xFFFFC000  }
0x2b: {  	[tilespmem:s17], [sflag:$0x1] =	stream.indirect.gather [hbm4b:s4+s16], $0x80, s29, s16, $0xb8;
	[tilespmem:$0x1E800] =	vst v63  }
0x2c: {  	_ =	swait.ge [sflag:s20], $0x4000  }
0x2d: {  	[sflag:s20] =	ssyncset.done $0x0  }
0x2e: {  	s29 =	simm.s32 $0x1480;
	[sflag:s20] =	ssyncadd.s32 $0xFFFFC000  }
0x2f: {  	[spmem:s1] =	stream.indirect.scatter.add.f32 [tilespmem:s18], [sflag:$0x3], $0x80, s29, s16, $0xb8;
	[tilespmem:$0x1E800] =	vst v63  }
0x30: {  	_ =	swait.ge [sflag:s14], $0x4000  }
0x31: {  	[sflag:s14] =	ssyncset.done $0x0  }
0x32: {  	s30 =	simm.s32 $0x180;
	s29 =	simm.s32 $0x400;
	[sflag:s14] =	ssyncadd.s32 $0xFFFFC000  }
.LBB2_2:
0x33: {  	[tilespmem:s18], [sflag:$0x2] =	stream.indirect.gather [hbm4b:s4+s16], $0x80, s30, s16, $0xb8;
	[tilespmem:$0x1E800] =	vst v63  }
0x34: {  	s30 =	smov.u32 s29  }
0x35: {  	p0 =	sne.s32 s29, $0x4400;
	s29 =	sadd.s32 $0x400, s29;
	_ =	swait.ge [sflag:s19], $0x4000  }
0x36: {  	s30 =	sshra.s32 s30, $0x2;
	[sflag:s19] =	ssyncset.done $0x0  }
0x37: {  	s31 =	sadd.s32 $0x1400, s30;
	[sflag:s19] =	ssyncadd.s32 $0xFFFFC000  }
0x38: {  	[spmem:s1] =	stream.indirect.scatter.add.f32 [tilespmem:s17], [sflag:$0x3], $0x80, s31, s16, $0xb8;
	[tilespmem:$0x1E800] =	vst v63  }
0x39: {  	_ =	swait.ge [sflag:s14], $0x4000  }
0x3a: {  	[sflag:s14] =	ssyncset.done $0x0  }
0x3b: {  	s31 =	sadd.s32 $0x100, s30;
	[sflag:s14] =	ssyncadd.s32 $0xFFFFC000  }
0x3c: {  	[tilespmem:s17], [sflag:$0x1] =	stream.indirect.gather [hbm4b:s4+s16], $0x80, s31, s16, $0xb8;
	[tilespmem:$0x1E800] =	vst v63  }
0x3d: {  	_ =	swait.ge [sflag:s20], $0x4000  }
0x3e: {  	[sflag:s20] =	ssyncset.done $0x0  }
.Ltmp0:
0x3f: {  	s31 =	sadd.s32 $0x1480, s30;
	[sflag:s20] =	ssyncadd.s32 $0xFFFFC000;
	(pc) =	sbr.rel @p0 .LBB2_2-.Ltmp0, $4  }
0x40: {  	[spmem:s1] =	stream.indirect.scatter.add.f32 [tilespmem:s18], [sflag:$0x3], $0x80, s31, s16, $0xb8;
	[tilespmem:$0x1E800] =	vst v63  }
0x41: {  	_ =	swait.ge [sflag:s14], $0x4000  }
0x42: {  	[sflag:s14] =	ssyncset.done $0x0  }
0x43: {  	s30 =	sadd.s32 $0x180, s30;
	[sflag:s14] =	ssyncadd.s32 $0xFFFFC000  }
0x44: {  	[tilespmem:s18], [sflag:$0x2] =	stream.indirect.gather [hbm4b:s4+s16], $0x80, s30, s16, $0xb8;
	[tilespmem:$0x1E800] =	vst v63  }
0x45: {  	_ =	swait.ge [sflag:s19], $0x4000  }
0x46: {  	[sflag:s19] =	ssyncset.done $0x0  }
0x47: {  	[sflag:s19] =	ssyncadd.s32 $0xFFFFC000  }
0x48: {  	[spmem:s1] =	stream.indirect.scatter.add.f32 [tilespmem:s17], [sflag:$0x3], $0x80, s21, s16, $0xb8;
	[tilespmem:$0x1E800] =	vst v63  }
0x49: {  	_ =	swait.ge [sflag:s14], $0x4000  }
0x4a: {  	[sflag:s14] =	ssyncset.done $0x0  }
0x4b: {  	[sflag:s14] =	ssyncadd.s32 $0xFFFFC000  }
0x4c: {  	[tilespmem:s17], [sflag:$0x1] =	stream.indirect.gather [hbm4b:s4+s16], $0x80, s22, s16, $0xb8;
	[tilespmem:$0x1E800] =	vst v63  }
0x4d: {  	_ =	swait.ge [sflag:s20], $0x4000  }
0x4e: {  	[sflag:s20] =	ssyncset.done $0x0  }
0x4f: {  	[sflag:s20] =	ssyncadd.s32 $0xFFFFC000  }
0x50: {  	[spmem:s1] =	stream.indirect.scatter.add.f32 [tilespmem:s18], [sflag:$0x3], $0x80, s23, s16, $0xb8;
	[tilespmem:$0x1E800] =	vst v63  }
0x51: {  	_ =	swait.ge [sflag:s14], $0x4000  }
0x52: {  	[sflag:s14] =	ssyncset.done $0x0  }
0x53: {  	[sflag:s14] =	ssyncadd.s32 $0xFFFFC000  }
0x54: {  	[tilespmem:s18], [sflag:$0x2] =	stream.indirect.gather [hbm4b:s4+s16], $0x80, s24, s16, $0xb8;
	[tilespmem:$0x1E800] =	vst v63  }
0x55: {  	_ =	swait.ge [sflag:s19], $0x4000  }
0x56: {  	[sflag:s19] =	ssyncset.done $0x0  }
0x57: {  	[sflag:s19] =	ssyncadd.s32 $0xFFFFC000  }
0x58: {  	[spmem:s1] =	stream.indirect.scatter.add.f32 [tilespmem:s17], [sflag:$0x3], $0x80, s25, s16, $0xb8;
	[tilespmem:$0x1E800] =	vst v63  }
0x59: {  	_ =	swait.ge [sflag:s14], $0x4000  }
0x5a: {  	[sflag:s14] =	ssyncset.done $0x0  }
0x5b: {  	[sflag:s14] =	ssyncadd.s32 $0xFFFFC000  }
0x5c: {  	[tilespmem:s17], [sflag:$0x1] =	stream.indirect.gather [hbm4b:s4+s16], $0x80, s24, s16, $0xb8;
	[tilespmem:$0x1E800] =	vst v63  }
0x5d: {  	_ =	swait.ge [sflag:s20], $0x4000  }
0x5e: {  	[sflag:s20] =	ssyncset.done $0x0  }
0x5f: {  	[sflag:s20] =	ssyncadd.s32 $0xFFFFC000  }
0x60: {  	[spmem:s1] =	stream.indirect.scatter.add.f32 [tilespmem:s18], [sflag:$0x3], $0x80, s26, s16, $0xb8;
	[tilespmem:$0x1E800] =	vst v63  }
0x61: {  	_ =	swait.ge [sflag:s14], $0x4000  }
0x62: {  	[sflag:s14] =	ssyncset.done $0x0  }
0x63: {  	[sflag:s14] =	ssyncadd.s32 $0xFFFFC000  }
0x64: {  	[tilespmem:s18], [sflag:$0x2] =	stream.indirect.gather [hbm4b:s4+s16], $0x80, s24, s16, $0xb8;
	[tilespmem:$0x1E800] =	vst v63  }
0x65: {  	_ =	swait.ge [sflag:s19], $0x4000  }
0x66: {  	[sflag:s19] =	ssyncset.done $0x0  }
0x67: {  	[sflag:s19] =	ssyncadd.s32 $0xFFFFC000  }
0x68: {  	_ =	swait.ge [sflag:s20], $0x4000  }
0x69: {  	[sflag:s20] =	ssyncset.done $0x0  }
0x6a: {  	s29 =	simm.s32 $0x0;
	[sflag:s20] =	ssyncadd.s32 $0xFFFFC000  }
0x6b: {  	[tilespmem:s29], [sflag:$0x3] =	stream.linear.gather [hbm4b:s9+s29], $0x1400, $0x38;
	[tilespmem:$0x1E800] =	vst v63  }
0x6c: {  	_ =	swait.ge [sflag:s14], $0x1400  }
0x6d: {  	[sflag:s14] =	ssyncset.done $0x0  }
0x6e: {  	[sflag:s14] =	ssyncadd.s32 $0xFFFFEC00  }
0x6f: {  	[tilespmem:s15], [sflag:$0x3] =	stream.linear.gather [hbm4b:s10+s29], $0x1400, $0x38;
	[tilespmem:$0x1E800] =	vst v63  }
0x70: {  	_ =	swait.ge [sflag:s14], $0x1400  }
0x71: {  	[sflag:s14] =	ssyncset.done $0x0  }
0x72: {  	[sflag:s14] =	ssyncadd.s32 $0xFFFFEC00  }
0x73: {  	[tilespmem:s17], [sflag:$0x1] =	stream.indirect.gather [hbm4b:s4+s16], $0x80, s29, s16, $0xb8;
	[tilespmem:$0x1E800] =	vst v63  }
0x74: {  	_ = 	snop  }
0x75: {  	[tilespmem:s18], [sflag:$0x2] =	stream.indirect.gather [hbm4b:s4+s16], $0x80, s16, s16, $0xb8;
	[tilespmem:$0x1E800] =	vst v63  }
0x76: {  	_ =	swait.ge [sflag:s19], $0x4000  }
0x77: {  	[sflag:s19] =	ssyncset.done $0x0  }
0x78: {  	s29 =	simm.s32 $0x1400;
	[sflag:s19] =	ssyncadd.s32 $0xFFFFC000  }
0x79: {  	[spmem:s1] =	stream.indirect.scatter.add.f32 [tilespmem:s17], [sflag:$0x3], $0x80, s29, s16, $0xb8;
	[tilespmem:$0x1E800] =	vst v63  }
0x7a: {  	_ =	swait.ge [sflag:s14], $0x4000  }
0x7b: {  	[sflag:s14] =	ssyncset.done $0x0  }
0x7c: {  	s29 =	simm.s32 $0x100;
	[sflag:s14] =	ssyncadd.s32 $0xFFFFC000  }
0x7d: {  	[tilespmem:s17], [sflag:$0x1] =	stream.indirect.gather [hbm4b:s4+s16], $0x80, s29, s16, $0xb8;
	[tilespmem:$0x1E800] =	vst v63  }
0x7e: {  	_ =	swait.ge [sflag:s20], $0x4000  }
0x7f: {  	[sflag:s20] =	ssyncset.done $0x0  }
0x80: {  	s29 =	simm.s32 $0x1480;
	[sflag:s20] =	ssyncadd.s32 $0xFFFFC000  }
0x81: {  	[spmem:s1] =	stream.indirect.scatter.add.f32 [tilespmem:s18], [sflag:$0x3], $0x80, s29, s16, $0xb8;
	[tilespmem:$0x1E800] =	vst v63  }
0x82: {  	_ =	swait.ge [sflag:s14], $0x4000  }
0x83: {  	[sflag:s14] =	ssyncset.done $0x0  }
0x84: {  	s30 =	simm.s32 $0x180;
	s29 =	simm.s32 $0x400;
	[sflag:s14] =	ssyncadd.s32 $0xFFFFC000  }
.LBB2_4:
0x85: {  	[tilespmem:s18], [sflag:$0x2] =	stream.indirect.gather [hbm4b:s4+s16], $0x80, s30, s16, $0xb8;
	[tilespmem:$0x1E800] =	vst v63  }
0x86: {  	s30 =	smov.u32 s29  }
0x87: {  	p0 =	sne.s32 s29, $0x4400;
	s29 =	sadd.s32 $0x400, s29;
	_ =	swait.ge [sflag:s19], $0x4000  }
0x88: {  	s30 =	sshra.s32 s30, $0x2;
	[sflag:s19] =	ssyncset.done $0x0  }
0x89: {  	s31 =	sadd.s32 $0x1400, s30;
	[sflag:s19] =	ssyncadd.s32 $0xFFFFC000  }
0x8a: {  	[spmem:s1] =	stream.indirect.scatter.add.f32 [tilespmem:s17], [sflag:$0x3], $0x80, s31, s16, $0xb8;
	[tilespmem:$0x1E800] =	vst v63  }
0x8b: {  	_ =	swait.ge [sflag:s14], $0x4000  }
0x8c: {  	[sflag:s14] =	ssyncset.done $0x0  }
0x8d: {  	s31 =	sadd.s32 $0x100, s30;
	[sflag:s14] =	ssyncadd.s32 $0xFFFFC000  }
0x8e: {  	[tilespmem:s17], [sflag:$0x1] =	stream.indirect.gather [hbm4b:s4+s16], $0x80, s31, s16, $0xb8;
	[tilespmem:$0x1E800] =	vst v63  }
0x8f: {  	_ =	swait.ge [sflag:s20], $0x4000  }
0x90: {  	[sflag:s20] =	ssyncset.done $0x0  }
.Ltmp1:
0x91: {  	s31 =	sadd.s32 $0x1480, s30;
	[sflag:s20] =	ssyncadd.s32 $0xFFFFC000;
	(pc) =	sbr.rel @p0 .LBB2_4-.Ltmp1, $4  }
0x92: {  	[spmem:s1] =	stream.indirect.scatter.add.f32 [tilespmem:s18], [sflag:$0x3], $0x80, s31, s16, $0xb8;
	[tilespmem:$0x1E800] =	vst v63  }
0x93: {  	_ =	swait.ge [sflag:s14], $0x4000  }
0x94: {  	[sflag:s14] =	ssyncset.done $0x0  }
0x95: {  	s30 =	sadd.s32 $0x180, s30;
	[sflag:s14] =	ssyncadd.s32 $0xFFFFC000  }
0x96: {  	[tilespmem:s18], [sflag:$0x2] =	stream.indirect.gather [hbm4b:s4+s16], $0x80, s30, s16, $0xb8;
	[tilespmem:$0x1E800] =	vst v63  }
0x97: {  	_ =	swait.ge [sflag:s19], $0x4000  }
0x98: {  	[sflag:s19] =	ssyncset.done $0x0  }
0x99: {  	[sflag:s19] =	ssyncadd.s32 $0xFFFFC000  }
0x9a: {  	[spmem:s1] =	stream.indirect.scatter.add.f32 [tilespmem:s17], [sflag:$0x3], $0x80, s21, s16, $0xb8;
	[tilespmem:$0x1E800] =	vst v63  }
0x9b: {  	_ =	swait.ge [sflag:s14], $0x4000  }
0x9c: {  	[sflag:s14] =	ssyncset.done $0x0  }
0x9d: {  	[sflag:s14] =	ssyncadd.s32 $0xFFFFC000  }
0x9e: {  	[tilespmem:s17], [sflag:$0x1] =	stream.indirect.gather [hbm4b:s4+s16], $0x80, s22, s16, $0xb8;
	[tilespmem:$0x1E800] =	vst v63  }
0x9f: {  	_ =	swait.ge [sflag:s20], $0x4000  }
0xa0: {  	[sflag:s20] =	ssyncset.done $0x0  }
0xa1: {  	[sflag:s20] =	ssyncadd.s32 $0xFFFFC000  }
0xa2: {  	[spmem:s1] =	stream.indirect.scatter.add.f32 [tilespmem:s18], [sflag:$0x3], $0x80, s23, s16, $0xb8;
	[tilespmem:$0x1E800] =	vst v63  }
0xa3: {  	_ =	swait.ge [sflag:s14], $0x4000  }
0xa4: {  	[sflag:s14] =	ssyncset.done $0x0  }
0xa5: {  	[sflag:s14] =	ssyncadd.s32 $0xFFFFC000  }
0xa6: {  	[tilespmem:s18], [sflag:$0x2] =	stream.indirect.gather [hbm4b:s4+s16], $0x80, s24, s16, $0xb8;
	[tilespmem:$0x1E800] =	vst v63  }
0xa7: {  	_ =	swait.ge [sflag:s19], $0x4000  }
0xa8: {  	[sflag:s19] =	ssyncset.done $0x0  }
0xa9: {  	[sflag:s19] =	ssyncadd.s32 $0xFFFFC000  }
0xaa: {  	[spmem:s1] =	stream.indirect.scatter.add.f32 [tilespmem:s17], [sflag:$0x3], $0x80, s25, s16, $0xb8;
	[tilespmem:$0x1E800] =	vst v63  }
0xab: {  	_ =	swait.ge [sflag:s14], $0x4000  }
0xac: {  	[sflag:s14] =	ssyncset.done $0x0  }
0xad: {  	[sflag:s14] =	ssyncadd.s32 $0xFFFFC000  }
0xae: {  	[tilespmem:s17], [sflag:$0x1] =	stream.indirect.gather [hbm4b:s4+s16], $0x80, s24, s16, $0xb8;
	[tilespmem:$0x1E800] =	vst v63  }
0xaf: {  	_ =	swait.ge [sflag:s20], $0x4000  }
0xb0: {  	[sflag:s20] =	ssyncset.done $0x0  }
0xb1: {  	[sflag:s20] =	ssyncadd.s32 $0xFFFFC000  }
0xb2: {  	[spmem:s1] =	stream.indirect.scatter.add.f32 [tilespmem:s18], [sflag:$0x3], $0x80, s26, s16, $0xb8;
	[tilespmem:$0x1E800] =	vst v63  }
0xb3: {  	_ =	swait.ge [sflag:s14], $0x4000  }
0xb4: {  	[sflag:s14] =	ssyncset.done $0x0  }
0xb5: {  	[sflag:s14] =	ssyncadd.s32 $0xFFFFC000  }
0xb6: {  	[tilespmem:s18], [sflag:$0x2] =	stream.indirect.gather [hbm4b:s4+s16], $0x80, s24, s16, $0xb8;
	[tilespmem:$0x1E800] =	vst v63  }
0xb7: {  	_ =	swait.ge [sflag:s19], $0x4000  }
0xb8: {  	[sflag:s19] =	ssyncset.done $0x0  }
0xb9: {  	[sflag:s19] =	ssyncadd.s32 $0xFFFFC000  }
0xba: {  	_ =	swait.ge [sflag:s20], $0x4000  }
0xbb: {  	s28 =	sadd.s32 $0x1, s28;
	[sflag:s20] =	ssyncset.done $0x0  }
0xbc: {  	p0 =	sne.s32 s28, s12;
	[sflag:s20] =	ssyncadd.s32 $0xFFFFC000  }
.Ltmp2:
0xbd: {  	[bflag:$0x0] =	sbarrier.arrive $0xFFFF;
	(pc) =	sbr.rel @p0 .LBB2_1-.Ltmp2, $4  }
0xbe: {  	[hbm:s11], [sflag:s6] =	dma.local [spmem:s13], $0x2800  }
0xbf: {  	_ =	swait.ge [sflag:s14], $0x2800  }
0xc0: {  	[sflag:s14] =	ssyncset.done $0x0  }
0xc1: {  	[sflag:s14] =	ssyncadd.s32 $0xFFFFD800  }
0xc2: {  	_ =	sfence.sel $0x180000  }
0xc3: {  	[bflag:$0x0] =	sbarrier.arrive $0xFFFF  }
0xc4: {  	p0 =	sne.s32 s2, $0x0;
	_ =	strace $0x9000004A  }
0xc5: {  	s0 =	sadd.s32 @!p0 $0x100000, s0;
	[bflag:$0x2] =	sbarrier.arrive $0xFFFF  }
0xc6: {  	[sflag:s0] =	ssyncadd.tile.s32 @!p0 $0x1;
	_ =	shalt  }
.Lfunc_end2:
_tile_overlayer_lowered:
.L_overlay_start_2:
0xc7: {  	(tag) =	ssettag $0x2  }
0xc8: {  	s0 =	rddreg [dreg:$0x0];
	s2 =	stileid.u32  }
0xc9: {  	s1 =	rddreg [dreg:$0x1];
	p0 =	sne.s32 s2, $0x0  }
0xca: {  	s3 =	rddreg [dreg:$0x2];
	[bflag:$0x3] =	sbarrier.arrive $0xFFFF;
	s2 =	simm.s32 @!p0 $0x1C03  }
0xcb: {  	[timem:s3], [sflag:s2] =	dma.local @!p0 [hbm:s0], s1  }
0xcc: {  	s0 =	simm.s32 @!p0 $0x3  }
0xcd: {  	_ =	swait.ge @!p0 [sflag:s0], s1  }
0xce: {  	s1 =	ssub.s32 @!p0 $0x0, s1;
	[sflag:s0] =	ssyncset.done @!p0 $0x0  }
0xcf: {  	[sflag:s0] =	ssyncadd.s32 @!p0 s1  }
0xd0: {  	[bflag:$0x3] =	sbarrier.arrive $0xFFFF  }
0xd1: {  	_ =	shalt  }

</sc_bundles>
